<compile_context>
chip_gen: v7x
topology: tpu7x:2x2x1
jax: 0.10.2.dev20260603
libtpu: 0.0.44.dev20260713+nightly
codegen_flags: <defaults>
</compile_context>

<pallas_src>
import functools

import jax
import jax.numpy as jnp
from jax import lax
from jax.experimental import pallas as pl
from jax.experimental.pallas import tpu as pltpu
from jax.experimental.pallas import tpu_sc as plsc

B = 64
N = 155
U = 60
D = 256
ENC = 256
NUM_EDGE_TYPES = 4
TIMESTEPS = 2
E_PER_TYPE = 80000
NODES = B * (N + 1)
TOTAL_E = NUM_EDGE_TYPES * E_PER_TYPE

HALF = D // 2
ROW_BLK = 128
NUM_ROW_BLKS = NODES // ROW_BLK
H_ROWS = 2 * NUM_EDGE_TYPES * NODES

CHUNK = 128
NS = 16
GRP = 32
CHUNKS_PER_TILE = 160
NGRP = CHUNKS_PER_TILE // GRP
E_PAD = CHUNKS_PER_TILE * CHUNK * NS
M_ROWS = NODES + 128
ZROWS_PER_TILE = M_ROWS // NS
OROWS_PER_TILE = NODES // NS
G_RB = 1248


PB = 4


def _prep_body(ls_ref, um_ref, ete_ref, enc_ref, wp_ref, bp_ref, g_ref,
               lp_ref, x0_ref):
    for b in range(PB):
        ls = ls_ref[b]
        um = um_ref[b, 0]
        vm = ls * um[None, :]
        mx = jnp.maximum(jnp.max(vm, axis=1, keepdims=True), 0.0)
        en = jnp.exp(vm - mx)
        denom = jnp.sum(en, axis=1, keepdims=True) + jnp.exp(-mx)
        s = en / denom * um[None, :]
        lp = s / (jnp.sum(s, axis=1, keepdims=True) + 1e-13)
        lp_ref[b] = lp
        r0 = jnp.max(lp, axis=1, keepdims=True)
        q = jnp.dot(lp, enc_ref[b], preferred_element_type=jnp.float32)
        init = (jnp.dot(ete_ref[b], wp_ref[0:D], preferred_element_type=jnp.float32)
                + r0 * wp_ref[D][None, :]
                + jnp.dot(q, wp_ref[D + 1:], preferred_element_type=jnp.float32)
                + bp_ref[0][None, :])
        x0_ref[b] = jnp.concatenate([init, g_ref[:]], axis=0)


def _prep(linking_scores, um3, entity_type_embeddings, encoder_outputs,
          W_proj, b_proj2, global_emb):
    return pl.pallas_call(
        _prep_body,
        grid=(B // PB,),
        in_specs=[
            pl.BlockSpec((PB, N, U), lambda b: (b, 0, 0)),
            pl.BlockSpec((PB, 1, U), lambda b: (b, 0, 0)),
            pl.BlockSpec((PB, N, D), lambda b: (b, 0, 0)),
            pl.BlockSpec((PB, U, ENC), lambda b: (b, 0, 0)),
            pl.BlockSpec((D + ENC + 1, D), lambda b: (0, 0)),
            pl.BlockSpec((1, D), lambda b: (0, 0)),
            pl.BlockSpec((1, D), lambda b: (0, 0)),
        ],
        out_specs=[
            pl.BlockSpec((PB, N, U), lambda b: (b, 0, 0)),
            pl.BlockSpec((PB, N + 1, D), lambda b: (b, 0, 0)),
        ],
        out_shape=[
            jax.ShapeDtypeStruct((B, N, U), jnp.float32),
            jax.ShapeDtypeStruct((B, N + 1, D), jnp.float32),
        ],
    )(linking_scores, um3, entity_type_embeddings, encoder_outputs,
      W_proj, b_proj2, global_emb)


HP_RB = 2496
HP_NR = NODES // HP_RB


def _hproj_body(x_ref, w_ref, h_ref):
    h_ref[...] = jnp.dot(x_ref[...], w_ref[0],
                         preferred_element_type=jnp.float32)


def _hproj(x, W8):
    return pl.pallas_call(
        _hproj_body,
        grid=(HP_NR, 2 * NUM_EDGE_TYPES),
        in_specs=[
            pl.BlockSpec((HP_RB, D), lambda r, k: (r, 0)),
            pl.BlockSpec((1, D, HALF), lambda r, k: (k, 0, 0)),
        ],
        out_specs=pl.BlockSpec(
            (HP_RB, HALF), lambda r, k: (k * HP_NR + r, 0)),
        out_shape=jax.ShapeDtypeStruct((H_ROWS, HALF), jnp.float32),
    )(x, W8)


def _sc_agg_body(h3, src_idx, dst_idx, zeros_hbm, out,
                 sidx_v, didx_v, rows0_v, rows1_v, m_sh, sem0, sem1):
    c = lax.axis_index("c")
    s = lax.axis_index("s")
    pltpu.sync_copy(zeros_hbm.at[pl.ds(s * ZROWS_PER_TILE, ZROWS_PER_TILE)],
                    m_sh.at[pl.ds(s * ZROWS_PER_TILE, ZROWS_PER_TILE)])
    plsc.subcore_barrier()

    def outer(g, carry):
        pltpu.sync_copy(src_idx.at[c].at[s].at[pl.ds(g * GRP, GRP)], sidx_v)
        pltpu.sync_copy(dst_idx.at[s].at[pl.ds(g * GRP, GRP)], didx_v)

        pltpu.async_copy(h3.at[sidx_v.at[0]], rows0_v, sem0)

        def body(j2, c2):
            j = 2 * j2
            pltpu.async_copy(h3.at[sidx_v.at[j + 1]], rows1_v, sem1)
            pltpu.make_async_copy(h3.at[sidx_v.at[j]], rows0_v, sem0).wait()
            pltpu.sync_copy(rows0_v, m_sh.at[didx_v.at[j]], add=True)
            jn = jnp.minimum(j + 2, GRP - 1)
            pltpu.async_copy(h3.at[sidx_v.at[jn]], rows0_v, sem0)
            pltpu.make_async_copy(h3.at[sidx_v.at[j + 1]], rows1_v, sem1).wait()
            pltpu.sync_copy(rows1_v, m_sh.at[didx_v.at[j + 1]], add=True)
            return c2

        r = lax.fori_loop(0, GRP // 2, body, carry)
        pltpu.make_async_copy(h3.at[sidx_v.at[0]], rows0_v, sem0).wait()
        return r

    lax.fori_loop(0, NGRP, outer, 0)
    plsc.subcore_barrier()
    pltpu.sync_copy(m_sh.at[pl.ds(s * OROWS_PER_TILE, OROWS_PER_TILE)],
                    out.at[c].at[pl.ds(s * OROWS_PER_TILE, OROWS_PER_TILE)])


@functools.cache
def _make_sc_agg():
    @functools.partial(
        pl.kernel,
        mesh=plsc.VectorSubcoreMesh(core_axis_name="c", subcore_axis_name="s"),
        out_type=jax.ShapeDtypeStruct((2, NODES, HALF), jnp.float32),
        scratch_types=[
            pltpu.VMEM((GRP, CHUNK), jnp.int32),
            pltpu.VMEM((GRP, CHUNK), jnp.int32),
            pltpu.VMEM((CHUNK, HALF), jnp.float32),
            pltpu.VMEM((CHUNK, HALF), jnp.float32),
            pltpu.VMEM_SHARED((M_ROWS, HALF), jnp.float32),
            pltpu.SemaphoreType.DMA,
            pltpu.SemaphoreType.DMA,
        ],
    )
    def _sc_agg(h3, src_idx, dst_idx, zeros_hbm, out,
                sidx_v, didx_v, rows0_v, rows1_v, m_sh, sem0, sem1):
        _sc_agg_body(h3, src_idx, dst_idx, zeros_hbm, out,
                     sidx_v, didx_v, rows0_v, rows1_v, m_sh, sem0, sem1)

    return _sc_agg


def _gru_body(mlo_ref, mhi_ref, x_ref, wih_ref, whh_ref, bih_ref, bhh_ref,
              wrel_ref, brel_ref, xn_ref, lg_ref, sg_ref):
    gi = (jnp.dot(mlo_ref[...], wih_ref[0:HALF], preferred_element_type=jnp.float32)
          + jnp.dot(mhi_ref[...], wih_ref[HALF:], preferred_element_type=jnp.float32)
          + bih_ref[0][None, :])
    gh = (jnp.dot(x_ref[...], whh_ref[...], preferred_element_type=jnp.float32)
          + bhh_ref[0][None, :])
    r = jax.nn.sigmoid(gi[:, 0:D] + gh[:, 0:D])
    z = jax.nn.sigmoid(gi[:, D:2 * D] + gh[:, D:2 * D])
    n = jnp.tanh(gi[:, 2 * D:] + r * gh[:, 2 * D:])
    xn = (1.0 - z) * n + z * x_ref[...]
    xn_ref[...] = xn
    lg = jnp.sum(xn * wrel_ref[0][None, :], axis=1, keepdims=True) + brel_ref[0, 0]
    lg_ref[...] = jnp.broadcast_to(lg, (G_RB, ROW_BLK))
    sg_ref[...] = jax.nn.sigmoid(lg_ref[...])


def _gru_h_body(mlo_ref, mhi_ref, x_ref, wih_ref, whh_ref, bih_ref, bhh_ref,
                wrel_ref, brel_ref, w8_ref, xn_ref, lg_ref, sg_ref, h_ref):
    _gru_body(mlo_ref, mhi_ref, x_ref, wih_ref, whh_ref, bih_ref, bhh_ref,
              wrel_ref, brel_ref, xn_ref, lg_ref, sg_ref)
    xn = xn_ref[...]
    for k in range(2 * NUM_EDGE_TYPES):
        h_ref[k] = jnp.dot(xn, w8_ref[k], preferred_element_type=jnp.float32)


def _gru_h(m2, x, W_ihT, W_hhT, b_ih2, b_hh2, w_relT, b_rel2, W8):
    return pl.pallas_call(
        _gru_h_body,
        grid=(NODES // G_RB,),
        in_specs=[
            pl.BlockSpec((G_RB, HALF), lambda r: (r, 0)),
            pl.BlockSpec((G_RB, HALF), lambda r: (r, 0)),
            pl.BlockSpec((G_RB, D), lambda r: (r, 0)),
            pl.BlockSpec((D, 3 * D), lambda r: (0, 0)),
            pl.BlockSpec((D, 3 * D), lambda r: (0, 0)),
            pl.BlockSpec((1, 3 * D), lambda r: (0, 0)),
            pl.BlockSpec((1, 3 * D), lambda r: (0, 0)),
            pl.BlockSpec((1, D), lambda r: (0, 0)),
            pl.BlockSpec((1, 1), lambda r: (0, 0)),
            pl.BlockSpec((2 * NUM_EDGE_TYPES, D, HALF), lambda r: (0, 0, 0)),
        ],
        out_specs=[
            pl.BlockSpec((G_RB, D), lambda r: (r, 0)),
            pl.BlockSpec((G_RB, ROW_BLK), lambda r: (r, 0)),
            pl.BlockSpec((G_RB, ROW_BLK), lambda r: (r, 0)),
            pl.BlockSpec((2 * NUM_EDGE_TYPES, G_RB, HALF), lambda r: (0, r, 0)),
        ],
        out_shape=[
            jax.ShapeDtypeStruct((NODES, D), jnp.float32),
            jax.ShapeDtypeStruct((NODES, ROW_BLK), jnp.float32),
            jax.ShapeDtypeStruct((NODES, ROW_BLK), jnp.float32),
            jax.ShapeDtypeStruct((2 * NUM_EDGE_TYPES, NODES, HALF), jnp.float32),
        ],
    )(m2[0], m2[1], x, W_ihT, W_hhT, b_ih2, b_hh2, w_relT, b_rel2, W8)


def _gru(m2, x, W_ihT, W_hhT, b_ih2, b_hh2, w_relT, b_rel2):
    return pl.pallas_call(
        _gru_body,
        grid=(NODES // G_RB,),
        in_specs=[
            pl.BlockSpec((G_RB, HALF), lambda r: (r, 0)),
            pl.BlockSpec((G_RB, HALF), lambda r: (r, 0)),
            pl.BlockSpec((G_RB, D), lambda r: (r, 0)),
            pl.BlockSpec((D, 3 * D), lambda r: (0, 0)),
            pl.BlockSpec((D, 3 * D), lambda r: (0, 0)),
            pl.BlockSpec((1, 3 * D), lambda r: (0, 0)),
            pl.BlockSpec((1, 3 * D), lambda r: (0, 0)),
            pl.BlockSpec((1, D), lambda r: (0, 0)),
            pl.BlockSpec((1, 1), lambda r: (0, 0)),
        ],
        out_specs=[
            pl.BlockSpec((G_RB, D), lambda r: (r, 0)),
            pl.BlockSpec((G_RB, ROW_BLK), lambda r: (r, 0)),
            pl.BlockSpec((G_RB, ROW_BLK), lambda r: (r, 0)),
        ],
        out_shape=[
            jax.ShapeDtypeStruct((NODES, D), jnp.float32),
            jax.ShapeDtypeStruct((NODES, ROW_BLK), jnp.float32),
            jax.ShapeDtypeStruct((NODES, ROW_BLK), jnp.float32),
        ],
    )(m2[0], m2[1], x, W_ihT, W_hhT, b_ih2, b_hh2, w_relT, b_rel2)


def kernel(encoder_outputs, entity_type_embeddings, linking_scores,
           utterance_mask, edge_index_0, edge_index_1, edge_index_2,
           edge_index_3, W_proj, b_proj, global_emb, W_edge, W_ih, W_hh,
           b_ih, b_hh, W_rel, b_rel):
    edge_indices = [edge_index_0, edge_index_1, edge_index_2, edge_index_3]
    src_all = jnp.concatenate(
        [edge_indices[e][0] + e * NODES for e in range(NUM_EDGE_TYPES)])
    dst_all = jnp.concatenate([edge_indices[e][1] for e in range(NUM_EDGE_TYPES)])
    npad = E_PAD - TOTAL_E
    pad_i = jnp.arange(npad, dtype=jnp.int32)
    src_p = jnp.concatenate([src_all, pad_i % CHUNK])
    dst_p = jnp.concatenate([dst_all, NODES + (pad_i % 128)])
    src2 = jnp.stack([src_p, src_p + NUM_EDGE_TYPES * NODES]).reshape(
        2, NS, CHUNKS_PER_TILE, CHUNK)
    dst2 = dst_p.reshape(NS, CHUNKS_PER_TILE, CHUNK)
    zeros_hbm = jnp.zeros((M_ROWS, HALF), jnp.float32)

    um3 = utterance_mask.reshape(B, 1, U)
    b_proj2 = b_proj.reshape(1, D)
    g2 = global_emb.reshape(1, D)
    W8 = W_edge.reshape(NUM_EDGE_TYPES, D, 2, HALF).transpose(2, 0, 1, 3).reshape(
        2 * NUM_EDGE_TYPES, D, HALF)
    W_ihT = W_ih.T
    W_hhT = W_hh.T
    b_ih2 = b_ih.reshape(1, 3 * D)
    b_hh2 = b_hh.reshape(1, 3 * D)
    w_relT = W_rel.reshape(1, D)
    b_rel2 = b_rel.reshape(1, 1)

    lp, x0 = _prep(linking_scores, um3, entity_type_embeddings,
                   encoder_outputs, W_proj, b_proj2, g2)
    x = x0.reshape(NODES, D)

    h3 = _hproj(x, W8)
    m2 = _make_sc_agg()(h3, src2, dst2, zeros_hbm)
    x, lg, sg, h3b = _gru_h(m2, x, W_ihT, W_hhT, b_ih2, b_hh2, w_relT,
                            b_rel2, W8)
    m2 = _make_sc_agg()(h3b.reshape(H_ROWS, HALF), src2, dst2, zeros_hbm)
    x, lg, sg = _gru(m2, x, W_ihT, W_hhT, b_ih2, b_hh2, w_relT, b_rel2)

    logits = lg[:, 0].reshape(B, N + 1, 1)[:, :N]
    sig = sg[:, 0].reshape(B, N + 1, 1)[:, :N]
    return (sig, logits, lp)

# --- scband reference (transcript-rebuilt; emitter-appended) ---
"""Pipeline reference for scband-graph-pruning-17197049053714 (READ-ONLY COPY).

The authoritative reference and input builder live on the scoring server;
editing this copy changes nothing except your own understanding.
"""

import jax, jax.numpy as jnp
import numpy as np

B, N, U, D, ENC = 64, 155, 60, 256, 256
NUM_EDGE_TYPES, TIMESTEPS = 4, 2
E_PER_TYPE = 80000
TOTAL_NODES = B * (N + 1)


def masked_softmax(vector, mask):
    # allennlp default masked_softmax
    result = jax.nn.softmax(vector * mask, axis=-1)
    result = result * mask
    return result / (jnp.sum(result, axis=-1, keepdims=True) + 1e-13)


def gru_cell(m, h, W_ih, W_hh, b_ih, b_hh):
    gi = m @ W_ih.T + b_ih
    gh = h @ W_hh.T + b_hh
    i_r, i_z, i_n = jnp.split(gi, 3, axis=-1)
    h_r, h_z, h_n = jnp.split(gh, 3, axis=-1)
    r = jax.nn.sigmoid(i_r + h_r)
    z = jax.nn.sigmoid(i_z + h_z)
    n = jnp.tanh(i_n + r * h_n)
    return (1.0 - z) * n + z * h


def setup_inputs(seed: int = 0):
    key = jax.random.key(seed)
    ks = jax.random.split(key, 16)
    inp = {}
    inp['encoder_outputs'] = jax.random.normal(ks[0], (B, U, ENC), jnp.float32)
    inp['entity_type_embeddings'] = jax.random.normal(ks[1], (B, N, D), jnp.float32)
    inp['linking_scores'] = jax.random.normal(ks[2], (B, N, U), jnp.float32)
    inp['utterance_mask'] = jnp.ones((B, U), jnp.float32)
    for i in range(NUM_EDGE_TYPES):
        inp['edge_index_%d' % i] = jax.random.randint(ks[3 + i], (2, E_PER_TYPE), 0, TOTAL_NODES, dtype=jnp.int32)
    inp['W_proj'] = jax.random.normal(ks[7], (D + ENC + 1, D), jnp.float32) * (1.0 / np.sqrt(D + ENC + 1))
    inp['b_proj'] = jnp.zeros((D,), jnp.float32)
    inp['global_emb'] = jax.random.normal(ks[8], (1, D), jnp.float32) * 0.05
    inp['W_edge'] = jax.random.normal(ks[9], (NUM_EDGE_TYPES, D, D), jnp.float32) * (1.0 / np.sqrt(D))
    inp['W_ih'] = jax.random.normal(ks[10], (3 * D, D), jnp.float32) * (1.0 / np.sqrt(D))
    inp['W_hh'] = jax.random.normal(ks[11], (3 * D, D), jnp.float32) * (1.0 / np.sqrt(D))
    inp['b_ih'] = jnp.zeros((3 * D,), jnp.float32)
    inp['b_hh'] = jnp.zeros((3 * D,), jnp.float32)
    inp['W_rel'] = jax.random.normal(ks[12], (D, 1), jnp.float32) * (1.0 / np.sqrt(D))
    inp['b_rel'] = jnp.zeros((1,), jnp.float32)
    return inp


def reference(encoder_outputs, entity_type_embeddings, linking_scores, utterance_mask,
              edge_index_0, edge_index_1, edge_index_2, edge_index_3,
              W_proj, b_proj, global_emb, W_edge, W_ih, W_hh, b_ih, b_hh, W_rel, b_rel):
    edge_indices = [edge_index_0, edge_index_1, edge_index_2, edge_index_3]
    ls_null = jnp.concatenate([jnp.zeros(linking_scores.shape[:2] + (1,), linking_scores.dtype), linking_scores], axis=-1)
    um_null = jnp.concatenate([jnp.zeros((utterance_mask.shape[0], 1), utterance_mask.dtype), utterance_mask], axis=-1)
    linking_probabilities = masked_softmax(ls_null, um_null[:, None, :])[:, :, 1:]
    r0 = jnp.max(linking_probabilities, axis=-1, keepdims=True)
    ete = jnp.concatenate([entity_type_embeddings, r0], axis=-1)
    q_aligned = jnp.einsum('bnu,bue->bne', linking_probabilities, encoder_outputs)
    initial = jnp.concatenate([ete, q_aligned], axis=-1) @ W_proj + b_proj
    global_nodes = jnp.broadcast_to(global_emb[None, :, :], (initial.shape[0], 1, global_emb.shape[1]))
    x = jnp.concatenate([initial, global_nodes], axis=1).reshape(-1, D)
    for _ in range(TIMESTEPS):
        m = jnp.zeros_like(x)
        for e in range(NUM_EDGE_TYPES):
            src = edge_indices[e][0]
            dst = edge_indices[e][1]
            h_e = x @ W_edge[e]
            m = m.at[dst].add(h_e[src])
        x = gru_cell(m, x, W_ih, W_hh, b_ih, b_hh)
    gnn_out = x.reshape(B, N + 1, D)[:, :N]
    logits = gnn_out @ W_rel + b_rel
    return (jax.nn.sigmoid(logits), logits, linking_probabilities)

if __name__ == "__main__":
    import jax
    _d = setup_inputs()
    print(jax.jit(kernel)(*tuple(_d.values())))

</pallas_src>

<mosaic_0001>
#map = affine_map<(d0, d1) -> (0, 0)>
#map1 = affine_map<(d0, d1) -> (0, 0, 0, 0)>
#map2 = affine_map<(d0, d1) -> (0, 0, 0)>
module attributes {stable_mosaic.version = 14 : i64} {
  func.func @_sc_agg(%arg0: i32, %arg1: i32, %arg2: memref<79872x128xf32, #tpu.memory_space<hbm>>, %arg3: memref<2x16x160x128xi32, #tpu.memory_space<hbm>>, %arg4: memref<16x160x128xi32, #tpu.memory_space<hbm>>, %arg5: memref<10112x128xf32, #tpu.memory_space<hbm>>, %arg6: memref<2x9984x128xf32, #tpu.memory_space<hbm>>, %arg7: memref<32x128xi32, #tpu.memory_space<vmem>>, %arg8: memref<32x128xi32, #tpu.memory_space<vmem>>, %arg9: memref<128x128xf32, #tpu.memory_space<vmem>>, %arg10: memref<128x128xf32, #tpu.memory_space<vmem>>, %arg11: memref<10112x128xf32, #tpu.memory_space<vmem_shared>>, %arg12: memref<!tpu.dma_semaphore, #tpu.memory_space<semaphore_mem>>, %arg13: memref<!tpu.dma_semaphore, #tpu.memory_space<semaphore_mem>>) attributes {dimension_semantics = [#tpu.dimension_semantics<core_parallel>, #tpu.dimension_semantics<subcore_parallel>], iteration_bounds = array<i64: 2, 16>, scalar_prefetch = 0 : i64, scratch_operands = 7 : i64, tpu.core_type = #tpu.core_type<sc_vector_subcore>, window_params = [{transform_indices = #map}, {transform_indices = #map1}, {transform_indices = #map2}, {transform_indices = #map}, {transform_indices = #map2}]} {
    %mul3A = arith.constant 632 : i32
    %mul3A_0 = arith.muli %arg1, %mul3A : i32
    %mul3A_1 = arith.constant 632 : i32
    %mul3A_2 = arith.muli %arg1, %mul3A_1 : i32
    "tpu.region"() ({
      %run_scoped3A = tpu.sem_alloc : memref<!tpu.dma_semaphore, #tpu.memory_space<semaphore_mem>>
      %dma_start3A = arith.constant 0 : i32
      %dma_start3A_13 = tpu.memref_slice %arg11[%mul3A_2, %dma_start3A] : memref<10112x128xf32, #tpu.memory_space<vmem_shared>> -> memref<632x128xf32, #tpu.memory_space<vmem_shared>>
      %dma_start3A_14 = arith.constant 0 : i32
      %dma_start3A_15 = tpu.memref_slice %arg5[%mul3A_0, %dma_start3A_14] : memref<10112x128xf32, #tpu.memory_space<hbm>> -> memref<632x128xf32, #tpu.memory_space<hbm>>
      tpu.enqueue_dma source(%dma_start3A_15 : memref<632x128xf32, #tpu.memory_space<hbm>>) target(%dma_start3A_13 : memref<632x128xf32, #tpu.memory_space<vmem_shared>>) target_semaphore(%run_scoped3A : memref<!tpu.dma_semaphore, #tpu.memory_space<semaphore_mem>>)
      %dma_wait3A = arith.constant 0 : i32
      %dma_wait3A_16 = tpu.memref_slice %arg11[%mul3A_2, %dma_wait3A] : memref<10112x128xf32, #tpu.memory_space<vmem_shared>> -> memref<632x128xf32, #tpu.memory_space<vmem_shared>>
      %dma_wait3A_17 = arith.constant 0 : i32
      %dma_wait3A_18 = tpu.memref_slice %arg5[%mul3A_0, %dma_wait3A_17] : memref<10112x128xf32, #tpu.memory_space<hbm>> -> memref<632x128xf32, #tpu.memory_space<hbm>>
      tpu.wait_dma2 semaphore(%run_scoped3A : memref<!tpu.dma_semaphore, #tpu.memory_space<semaphore_mem>>) src(%dma_wait3A_18 : memref<632x128xf32, #tpu.memory_space<hbm>>) dst(%dma_wait3A_16 : memref<632x128xf32, #tpu.memory_space<vmem_shared>>)
      tpu.yield
    }) : () -> ()
    %barrier3A = arith.constant 0 : index
    tpu.barrier barrier_id(%barrier3A)
    %scan3A = arith.constant 0 : i32
    %scan3A_3 = arith.constant 0 : i32
    %scan3A_4 = arith.constant 5 : i32
    %scan3A_5 = arith.addi %scan3A_3, %scan3A_4 : i32
    %scan3A_6 = arith.constant 1 : i32
    scf.for %scan3A_13 = %scan3A_3 to %scan3A_5 step %scan3A_6  : i32 {
      %mul3A_14 = arith.constant 32 : i32
      %mul3A_15 = arith.muli %scan3A_13, %mul3A_14 : i32
      "tpu.region"() ({
        %run_scoped3A = tpu.sem_alloc : memref<!tpu.dma_semaphore, #tpu.memory_space<semaphore_mem>>
        %dma_start3A_35 = arith.constant 0 : i32
        %dma_start3A_36 = arith.constant 0 : i32
        %dma_start3A_37 = arith.constant 0 : i32
        %dma_start3A_38 = tpu.memref_slice %arg3[%arg0, %dma_start3A_35, %dma_start3A_36, %dma_start3A_37] : memref<2x16x160x128xi32, #tpu.memory_space<hbm>> -> memref<1x16x160x128xi32, #tpu.memory_space<hbm>>
        %dma_start3A_39 = tpu.memref_squeeze %dma_start3A_38 : memref<1x16x160x128xi32, #tpu.memory_space<hbm>> -> memref<16x160x128xi32, #tpu.memory_space<hbm>>
        %dma_start3A_40 = arith.constant 0 : i32
        %dma_start3A_41 = arith.constant 0 : i32
        %dma_start3A_42 = tpu.memref_slice %dma_start3A_39[%arg1, %dma_start3A_40, %dma_start3A_41] : memref<16x160x128xi32, #tpu.memory_space<hbm>> -> memref<1x160x128xi32, #tpu.memory_space<hbm>>
        %dma_start3A_43 = tpu.memref_squeeze %dma_start3A_42 : memref<1x160x128xi32, #tpu.memory_space<hbm>> -> memref<160x128xi32, #tpu.memory_space<hbm>>
        %dma_start3A_44 = arith.constant 0 : i32
        %dma_start3A_45 = tpu.memref_slice %dma_start3A_43[%mul3A_15, %dma_start3A_44] : memref<160x128xi32, #tpu.memory_space<hbm>> -> memref<32x128xi32, #tpu.memory_space<hbm>>
        %dma_start3A_46 = arith.constant 0 : i32
        %dma_start3A_47 = arith.constant 0 : i32
        %dma_start3A_48 = arith.constant 0 : i32
        %dma_start3A_49 = tpu.memref_slice %arg3[%arg0, %dma_start3A_46, %dma_start3A_47, %dma_start3A_48] : memref<2x16x160x128xi32, #tpu.memory_space<hbm>> -> memref<1x16x160x128xi32, #tpu.memory_space<hbm>>
        %dma_start3A_50 = tpu.memref_squeeze %dma_start3A_49 : memref<1x16x160x128xi32, #tpu.memory_space<hbm>> -> memref<16x160x128xi32, #tpu.memory_space<hbm>>
        %dma_start3A_51 = arith.constant 0 : i32
        %dma_start3A_52 = arith.constant 0 : i32
        %dma_start3A_53 = tpu.memref_slice %dma_start3A_50[%arg1, %dma_start3A_51, %dma_start3A_52] : memref<16x160x128xi32, #tpu.memory_space<hbm>> -> memref<1x160x128xi32, #tpu.memory_space<hbm>>
        %dma_start3A_54 = tpu.memref_squeeze %dma_start3A_53 : memref<1x160x128xi32, #tpu.memory_space<hbm>> -> memref<160x128xi32, #tpu.memory_space<hbm>>
        %dma_start3A_55 = arith.constant 0 : i32
        %dma_start3A_56 = tpu.memref_slice %dma_start3A_54[%mul3A_15, %dma_start3A_55] : memref<160x128xi32, #tpu.memory_space<hbm>> -> memref<32x128xi32, #tpu.memory_space<hbm>>
        tpu.enqueue_dma source(%dma_start3A_56 : memref<32x128xi32, #tpu.memory_space<hbm>>) target(%arg7 : memref<32x128xi32, #tpu.memory_space<vmem>>) target_semaphore(%run_scoped3A : memref<!tpu.dma_semaphore, #tpu.memory_space<semaphore_mem>>)
        %dma_wait3A_57 = arith.constant 0 : i32
        %dma_wait3A_58 = arith.constant 0 : i32
        %dma_wait3A_59 = arith.constant 0 : i32
        %dma_wait3A_60 = tpu.memref_slice %arg3[%arg0, %dma_wait3A_57, %dma_wait3A_58, %dma_wait3A_59] : memref<2x16x160x128xi32, #tpu.memory_space<hbm>> -> memref<1x16x160x128xi32, #tpu.memory_space<hbm>>
        %dma_wait3A_61 = tpu.memref_squeeze %dma_wait3A_60 : memref<1x16x160x128xi32, #tpu.memory_space<hbm>> -> memref<16x160x128xi32, #tpu.memory_space<hbm>>
        %dma_wait3A_62 = arith.constant 0 : i32
        %dma_wait3A_63 = arith.constant 0 : i32
        %dma_wait3A_64 = tpu.memref_slice %dma_wait3A_61[%arg1, %dma_wait3A_62, %dma_wait3A_63] : memref<16x160x128xi32, #tpu.memory_space<hbm>> -> memref<1x160x128xi32, #tpu.memory_space<hbm>>
        %dma_wait3A_65 = tpu.memref_squeeze %dma_wait3A_64 : memref<1x160x128xi32, #tpu.memory_space<hbm>> -> memref<160x128xi32, #tpu.memory_space<hbm>>
        %dma_wait3A_66 = arith.constant 0 : i32
        %dma_wait3A_67 = tpu.memref_slice %dma_wait3A_65[%mul3A_15, %dma_wait3A_66] : memref<160x128xi32, #tpu.memory_space<hbm>> -> memref<32x128xi32, #tpu.memory_space<hbm>>
        %dma_wait3A_68 = arith.constant 0 : i32
        %dma_wait3A_69 = arith.constant 0 : i32
        %dma_wait3A_70 = arith.constant 0 : i32
        %dma_wait3A_71 = tpu.memref_slice %arg3[%arg0, %dma_wait3A_68, %dma_wait3A_69, %dma_wait3A_70] : memref<2x16x160x128xi32, #tpu.memory_space<hbm>> -> memref<1x16x160x128xi32, #tpu.memory_space<hbm>>
        %dma_wait3A_72 = tpu.memref_squeeze %dma_wait3A_71 : memref<1x16x160x128xi32, #tpu.memory_space<hbm>> -> memref<16x160x128xi32, #tpu.memory_space<hbm>>
        %dma_wait3A_73 = arith.constant 0 : i32
        %dma_wait3A_74 = arith.constant 0 : i32
        %dma_wait3A_75 = tpu.memref_slice %dma_wait3A_72[%arg1, %dma_wait3A_73, %dma_wait3A_74] : memref<16x160x128xi32, #tpu.memory_space<hbm>> -> memref<1x160x128xi32, #tpu.memory_space<hbm>>
        %dma_wait3A_76 = tpu.memref_squeeze %dma_wait3A_75 : memref<1x160x128xi32, #tpu.memory_space<hbm>> -> memref<160x128xi32, #tpu.memory_space<hbm>>
        %dma_wait3A_77 = arith.constant 0 : i32
        %dma_wait3A_78 = tpu.memref_slice %dma_wait3A_76[%mul3A_15, %dma_wait3A_77] : memref<160x128xi32, #tpu.memory_space<hbm>> -> memref<32x128xi32, #tpu.memory_space<hbm>>
        tpu.wait_dma2 semaphore(%run_scoped3A : memref<!tpu.dma_semaphore, #tpu.memory_space<semaphore_mem>>) src(%dma_wait3A_78 : memref<32x128xi32, #tpu.memory_space<hbm>>) dst(%arg7 : memref<32x128xi32, #tpu.memory_space<vmem>>)
        tpu.yield
      }) : () -> ()
      %mul3A_16 = arith.constant 32 : i32
      %mul3A_17 = arith.muli %scan3A_13, %mul3A_16 : i32
      "tpu.region"() ({
        %run_scoped3A = tpu.sem_alloc : memref<!tpu.dma_semaphore, #tpu.memory_space<semaphore_mem>>
        %dma_start3A_35 = arith.constant 0 : i32
        %dma_start3A_36 = arith.constant 0 : i32
        %dma_start3A_37 = tpu.memref_slice %arg4[%arg1, %dma_start3A_35, %dma_start3A_36] : memref<16x160x128xi32, #tpu.memory_space<hbm>> -> memref<1x160x128xi32, #tpu.memory_space<hbm>>
        %dma_start3A_38 = tpu.memref_squeeze %dma_start3A_37 : memref<1x160x128xi32, #tpu.memory_space<hbm>> -> memref<160x128xi32, #tpu.memory_space<hbm>>
        %dma_start3A_39 = arith.constant 0 : i32
        %dma_start3A_40 = tpu.memref_slice %dma_start3A_38[%mul3A_17, %dma_start3A_39] : memref<160x128xi32, #tpu.memory_space<hbm>> -> memref<32x128xi32, #tpu.memory_space<hbm>>
        %dma_start3A_41 = arith.constant 0 : i32
        %dma_start3A_42 = arith.constant 0 : i32
        %dma_start3A_43 = tpu.memref_slice %arg4[%arg1, %dma_start3A_41, %dma_start3A_42] : memref<16x160x128xi32, #tpu.memory_space<hbm>> -> memref<1x160x128xi32, #tpu.memory_space<hbm>>
        %dma_start3A_44 = tpu.memref_squeeze %dma_start3A_43 : memref<1x160x128xi32, #tpu.memory_space<hbm>> -> memref<160x128xi32, #tpu.memory_space<hbm>>
        %dma_start3A_45 = arith.constant 0 : i32
        %dma_start3A_46 = tpu.memref_slice %dma_start3A_44[%mul3A_17, %dma_start3A_45] : memref<160x128xi32, #tpu.memory_space<hbm>> -> memref<32x128xi32, #tpu.memory_space<hbm>>
        tpu.enqueue_dma source(%dma_start3A_46 : memref<32x128xi32, #tpu.memory_space<hbm>>) target(%arg8 : memref<32x128xi32, #tpu.memory_space<vmem>>) target_semaphore(%run_scoped3A : memref<!tpu.dma_semaphore, #tpu.memory_space<semaphore_mem>>)
        %dma_wait3A_47 = arith.constant 0 : i32
        %dma_wait3A_48 = arith.constant 0 : i32
        %dma_wait3A_49 = tpu.memref_slice %arg4[%arg1, %dma_wait3A_47, %dma_wait3A_48] : memref<16x160x128xi32, #tpu.memory_space<hbm>> -> memref<1x160x128xi32, #tpu.memory_space<hbm>>
        %dma_wait3A_50 = tpu.memref_squeeze %dma_wait3A_49 : memref<1x160x128xi32, #tpu.memory_space<hbm>> -> memref<160x128xi32, #tpu.memory_space<hbm>>
        %dma_wait3A_51 = arith.constant 0 : i32
        %dma_wait3A_52 = tpu.memref_slice %dma_wait3A_50[%mul3A_17, %dma_wait3A_51] : memref<160x128xi32, #tpu.memory_space<hbm>> -> memref<32x128xi32, #tpu.memory_space<hbm>>
        %dma_wait3A_53 = arith.constant 0 : i32
        %dma_wait3A_54 = arith.constant 0 : i32
        %dma_wait3A_55 = tpu.memref_slice %arg4[%arg1, %dma_wait3A_53, %dma_wait3A_54] : memref<16x160x128xi32, #tpu.memory_space<hbm>> -> memref<1x160x128xi32, #tpu.memory_space<hbm>>
        %dma_wait3A_56 = tpu.memref_squeeze %dma_wait3A_55 : memref<1x160x128xi32, #tpu.memory_space<hbm>> -> memref<160x128xi32, #tpu.memory_space<hbm>>
        %dma_wait3A_57 = arith.constant 0 : i32
        %dma_wait3A_58 = tpu.memref_slice %dma_wait3A_56[%mul3A_17, %dma_wait3A_57] : memref<160x128xi32, #tpu.memory_space<hbm>> -> memref<32x128xi32, #tpu.memory_space<hbm>>
        tpu.wait_dma2 semaphore(%run_scoped3A : memref<!tpu.dma_semaphore, #tpu.memory_space<semaphore_mem>>) src(%dma_wait3A_58 : memref<32x128xi32, #tpu.memory_space<hbm>>) dst(%arg8 : memref<32x128xi32, #tpu.memory_space<vmem>>)
        tpu.yield
      }) : () -> ()
      %dma_start3A = arith.constant 0 : i32
      %dma_start3A_18 = arith.constant 0 : i32
      %dma_start3A_19 = tpu.memref_slice %arg7[%dma_start3A, %dma_start3A_18] : memref<32x128xi32, #tpu.memory_space<vmem>> -> memref<1x128xi32, #tpu.memory_space<vmem>>
      %dma_start3A_20 = tpu.memref_squeeze %dma_start3A_19 : memref<1x128xi32, #tpu.memory_space<vmem>> -> memref<128xi32, #tpu.memory_space<vmem>>
      %dma_start3A_21 = arith.constant 0 : i32
      %dma_start3A_22 = arith.constant 0 : i32
      %dma_start3A_23 = tpu.memref_slice %arg2[%dma_start3A_21, %dma_start3A_22] : memref<79872x128xf32, #tpu.memory_space<hbm>> -> memref<79872x128xf32, #tpu.memory_space<hbm>>
      tpu.enqueue_indirect_dma source(%dma_start3A_23 : memref<79872x128xf32, #tpu.memory_space<hbm>>) target(%arg9 : memref<128x128xf32, #tpu.memory_space<vmem>>) offsets(%dma_start3A_20 : memref<128xi32, #tpu.memory_space<vmem>>) semaphore(%arg12 : memref<!tpu.dma_semaphore, #tpu.memory_space<semaphore_mem>>)
      %scan3A_24 = arith.constant 0 : i32
      %scan3A_25 = arith.constant 16 : i32
      %scan3A_26 = arith.addi %scan3A_24, %scan3A_25 : i32
      %scan3A_27 = arith.constant 1 : i32
      scf.for %scan3A_35 = %scan3A_24 to %scan3A_26 step %scan3A_27  : i32 {
        %mul3A_36 = arith.constant 2 : i32
        %mul3A_37 = arith.muli %mul3A_36, %scan3A_35 : i32
        %add3A = arith.constant 1 : i32
        %add3A_38 = arith.addi %mul3A_37, %add3A : i32
        %dma_start3A_39 = arith.constant 0 : i32
        %dma_start3A_40 = tpu.memref_slice %arg7[%add3A_38, %dma_start3A_39] : memref<32x128xi32, #tpu.memory_space<vmem>> -> memref<1x128xi32, #tpu.memory_space<vmem>>
        %dma_start3A_41 = tpu.memref_squeeze %dma_start3A_40 : memref<1x128xi32, #tpu.memory_space<vmem>> -> memref<128xi32, #tpu.memory_space<vmem>>
        %dma_start3A_42 = arith.constant 0 : i32
        %dma_start3A_43 = arith.constant 0 : i32
        %dma_start3A_44 = tpu.memref_slice %arg2[%dma_start3A_42, %dma_start3A_43] : memref<79872x128xf32, #tpu.memory_space<hbm>> -> memref<79872x128xf32, #tpu.memory_space<hbm>>
        tpu.enqueue_indirect_dma source(%dma_start3A_44 : memref<79872x128xf32, #tpu.memory_space<hbm>>) target(%arg10 : memref<128x128xf32, #tpu.memory_space<vmem>>) offsets(%dma_start3A_41 : memref<128xi32, #tpu.memory_space<vmem>>) semaphore(%arg13 : memref<!tpu.dma_semaphore, #tpu.memory_space<semaphore_mem>>)
        %dma_wait3A_45 = arith.constant 0 : i32
        %dma_wait3A_46 = tpu.memref_slice %arg7[%mul3A_37, %dma_wait3A_45] : memref<32x128xi32, #tpu.memory_space<vmem>> -> memref<1x128xi32, #tpu.memory_space<vmem>>
        %dma_wait3A_47 = tpu.memref_squeeze %dma_wait3A_46 : memref<1x128xi32, #tpu.memory_space<vmem>> -> memref<128xi32, #tpu.memory_space<vmem>>
        %dma_wait3A_48 = arith.constant 0 : i32
        %dma_wait3A_49 = arith.constant 0 : i32
        %dma_wait3A_50 = tpu.memref_slice %arg2[%dma_wait3A_48, %dma_wait3A_49] : memref<79872x128xf32, #tpu.memory_space<hbm>> -> memref<79872x128xf32, #tpu.memory_space<hbm>>
        tpu.wait_indirect_dma semaphore(%arg12 : memref<!tpu.dma_semaphore, #tpu.memory_space<semaphore_mem>>) src(%dma_wait3A_50 : memref<79872x128xf32, #tpu.memory_space<hbm>>) dst(%arg9 : memref<128x128xf32, #tpu.memory_space<vmem>>)
        "tpu.region"() ({
          %run_scoped3A = tpu.sem_alloc : memref<!tpu.dma_semaphore, #tpu.memory_space<semaphore_mem>>
          %dma_start3A_70 = arith.constant 0 : i32
          %dma_start3A_71 = tpu.memref_slice %arg8[%mul3A_37, %dma_start3A_70] : memref<32x128xi32, #tpu.memory_space<vmem>> -> memref<1x128xi32, #tpu.memory_space<vmem>>
          %dma_start3A_72 = tpu.memref_squeeze %dma_start3A_71 : memref<1x128xi32, #tpu.memory_space<vmem>> -> memref<128xi32, #tpu.memory_space<vmem>>
          %dma_start3A_73 = arith.constant 0 : i32
          %dma_start3A_74 = arith.constant 0 : i32
          %dma_start3A_75 = tpu.memref_slice %arg11[%dma_start3A_73, %dma_start3A_74] : memref<10112x128xf32, #tpu.memory_space<vmem_shared>> -> memref<10112x128xf32, #tpu.memory_space<vmem_shared>>
          tpu.enqueue_indirect_dma source(%arg9 : memref<128x128xf32, #tpu.memory_space<vmem>>) target(%dma_start3A_75 : memref<10112x128xf32, #tpu.memory_space<vmem_shared>>) offsets(%dma_start3A_72 : memref<128xi32, #tpu.memory_space<vmem>>) semaphore(%run_scoped3A : memref<!tpu.dma_semaphore, #tpu.memory_space<semaphore_mem>>) {add = true}
          %dma_wait3A_76 = arith.constant 0 : i32
          %dma_wait3A_77 = tpu.memref_slice %arg8[%mul3A_37, %dma_wait3A_76] : memref<32x128xi32, #tpu.memory_space<vmem>> -> memref<1x128xi32, #tpu.memory_space<vmem>>
          %dma_wait3A_78 = tpu.memref_squeeze %dma_wait3A_77 : memref<1x128xi32, #tpu.memory_space<vmem>> -> memref<128xi32, #tpu.memory_space<vmem>>
          %dma_wait3A_79 = arith.constant 0 : i32
          %dma_wait3A_80 = arith.constant 0 : i32
          %dma_wait3A_81 = tpu.memref_slice %arg11[%dma_wait3A_79, %dma_wait3A_80] : memref<10112x128xf32, #tpu.memory_space<vmem_shared>> -> memref<10112x128xf32, #tpu.memory_space<vmem_shared>>
          tpu.wait_indirect_dma semaphore(%run_scoped3A : memref<!tpu.dma_semaphore, #tpu.memory_space<semaphore_mem>>) src(%arg9 : memref<128x128xf32, #tpu.memory_space<vmem>>) dst(%dma_wait3A_81 : memref<10112x128xf32, #tpu.memory_space<vmem_shared>>)
          tpu.yield
        }) : () -> ()
        %add3A_51 = arith.constant 2 : i32
        %add3A_52 = arith.addi %mul3A_37, %add3A_51 : i32
        %min3A = arith.constant 31 : i32
        %min3A_53 = arith.minsi %add3A_52, %min3A : i32
        %dma_start3A_54 = arith.constant 0 : i32
        %dma_start3A_55 = tpu.memref_slice %arg7[%min3A_53, %dma_start3A_54] : memref<32x128xi32, #tpu.memory_space<vmem>> -> memref<1x128xi32, #tpu.memory_space<vmem>>
        %dma_start3A_56 = tpu.memref_squeeze %dma_start3A_55 : memref<1x128xi32, #tpu.memory_space<vmem>> -> memref<128xi32, #tpu.memory_space<vmem>>
        %dma_start3A_57 = arith.constant 0 : i32
        %dma_start3A_58 = arith.constant 0 : i32
        %dma_start3A_59 = tpu.memref_slice %arg2[%dma_start3A_57, %dma_start3A_58] : memref<79872x128xf32, #tpu.memory_space<hbm>> -> memref<79872x128xf32, #tpu.memory_space<hbm>>
        tpu.enqueue_indirect_dma source(%dma_start3A_59 : memref<79872x128xf32, #tpu.memory_space<hbm>>) target(%arg9 : memref<128x128xf32, #tpu.memory_space<vmem>>) offsets(%dma_start3A_56 : memref<128xi32, #tpu.memory_space<vmem>>) semaphore(%arg12 : memref<!tpu.dma_semaphore, #tpu.memory_space<semaphore_mem>>)
        %add3A_60 = arith.constant 1 : i32
        %add3A_61 = arith.addi %mul3A_37, %add3A_60 : i32
        %dma_wait3A_62 = arith.constant 0 : i32
        %dma_wait3A_63 = tpu.memref_slice %arg7[%add3A_61, %dma_wait3A_62] : memref<32x128xi32, #tpu.memory_space<vmem>> -> memref<1x128xi32, #tpu.memory_space<vmem>>
        %dma_wait3A_64 = tpu.memref_squeeze %dma_wait3A_63 : memref<1x128xi32, #tpu.memory_space<vmem>> -> memref<128xi32, #tpu.memory_space<vmem>>
        %dma_wait3A_65 = arith.constant 0 : i32
        %dma_wait3A_66 = arith.constant 0 : i32
        %dma_wait3A_67 = tpu.memref_slice %arg2[%dma_wait3A_65, %dma_wait3A_66] : memref<79872x128xf32, #tpu.memory_space<hbm>> -> memref<79872x128xf32, #tpu.memory_space<hbm>>
        tpu.wait_indirect_dma semaphore(%arg13 : memref<!tpu.dma_semaphore, #tpu.memory_space<semaphore_mem>>) src(%dma_wait3A_67 : memref<79872x128xf32, #tpu.memory_space<hbm>>) dst(%arg10 : memref<128x128xf32, #tpu.memory_space<vmem>>)
        %add3A_68 = arith.constant 1 : i32
        %add3A_69 = arith.addi %mul3A_37, %add3A_68 : i32
        "tpu.region"() ({
          %run_scoped3A = tpu.sem_alloc : memref<!tpu.dma_semaphore, #tpu.memory_space<semaphore_mem>>
          %dma_start3A_70 = arith.constant 0 : i32
          %dma_start3A_71 = tpu.memref_slice %arg8[%add3A_69, %dma_start3A_70] : memref<32x128xi32, #tpu.memory_space<vmem>> -> memref<1x128xi32, #tpu.memory_space<vmem>>
          %dma_start3A_72 = tpu.memref_squeeze %dma_start3A_71 : memref<1x128xi32, #tpu.memory_space<vmem>> -> memref<128xi32, #tpu.memory_space<vmem>>
          %dma_start3A_73 = arith.constant 0 : i32
          %dma_start3A_74 = arith.constant 0 : i32
          %dma_start3A_75 = tpu.memref_slice %arg11[%dma_start3A_73, %dma_start3A_74] : memref<10112x128xf32, #tpu.memory_space<vmem_shared>> -> memref<10112x128xf32, #tpu.memory_space<vmem_shared>>
          tpu.enqueue_indirect_dma source(%arg10 : memref<128x128xf32, #tpu.memory_space<vmem>>) target(%dma_start3A_75 : memref<10112x128xf32, #tpu.memory_space<vmem_shared>>) offsets(%dma_start3A_72 : memref<128xi32, #tpu.memory_space<vmem>>) semaphore(%run_scoped3A : memref<!tpu.dma_semaphore, #tpu.memory_space<semaphore_mem>>) {add = true}
          %dma_wait3A_76 = arith.constant 0 : i32
          %dma_wait3A_77 = tpu.memref_slice %arg8[%add3A_69, %dma_wait3A_76] : memref<32x128xi32, #tpu.memory_space<vmem>> -> memref<1x128xi32, #tpu.memory_space<vmem>>
          %dma_wait3A_78 = tpu.memref_squeeze %dma_wait3A_77 : memref<1x128xi32, #tpu.memory_space<vmem>> -> memref<128xi32, #tpu.memory_space<vmem>>
          %dma_wait3A_79 = arith.constant 0 : i32
          %dma_wait3A_80 = arith.constant 0 : i32
          %dma_wait3A_81 = tpu.memref_slice %arg11[%dma_wait3A_79, %dma_wait3A_80] : memref<10112x128xf32, #tpu.memory_space<vmem_shared>> -> memref<10112x128xf32, #tpu.memory_space<vmem_shared>>
          tpu.wait_indirect_dma semaphore(%run_scoped3A : memref<!tpu.dma_semaphore, #tpu.memory_space<semaphore_mem>>) src(%arg10 : memref<128x128xf32, #tpu.memory_space<vmem>>) dst(%dma_wait3A_81 : memref<10112x128xf32, #tpu.memory_space<vmem_shared>>)
          tpu.yield
        }) : () -> ()
      }
      %scan3A_28 = arith.constant 16 : i32
      %dma_wait3A = arith.constant 0 : i32
      %dma_wait3A_29 = arith.constant 0 : i32
      %dma_wait3A_30 = tpu.memref_slice %arg7[%dma_wait3A, %dma_wait3A_29] : memref<32x128xi32, #tpu.memory_space<vmem>> -> memref<1x128xi32, #tpu.memory_space<vmem>>
      %dma_wait3A_31 = tpu.memref_squeeze %dma_wait3A_30 : memref<1x128xi32, #tpu.memory_space<vmem>> -> memref<128xi32, #tpu.memory_space<vmem>>
      %dma_wait3A_32 = arith.constant 0 : i32
      %dma_wait3A_33 = arith.constant 0 : i32
      %dma_wait3A_34 = tpu.memref_slice %arg2[%dma_wait3A_32, %dma_wait3A_33] : memref<79872x128xf32, #tpu.memory_space<hbm>> -> memref<79872x128xf32, #tpu.memory_space<hbm>>
      tpu.wait_indirect_dma semaphore(%arg12 : memref<!tpu.dma_semaphore, #tpu.memory_space<semaphore_mem>>) src(%dma_wait3A_34 : memref<79872x128xf32, #tpu.memory_space<hbm>>) dst(%arg9 : memref<128x128xf32, #tpu.memory_space<vmem>>)
    }
    %scan3A_7 = arith.constant 5 : i32
    %barrier3A_8 = arith.constant 0 : index
    tpu.barrier barrier_id(%barrier3A_8)
    %mul3A_9 = arith.constant 624 : i32
    %mul3A_10 = arith.muli %arg1, %mul3A_9 : i32
    %mul3A_11 = arith.constant 624 : i32
    %mul3A_12 = arith.muli %arg1, %mul3A_11 : i32
    "tpu.region"() ({
      %run_scoped3A = tpu.sem_alloc : memref<!tpu.dma_semaphore, #tpu.memory_space<semaphore_mem>>
      %dma_start3A = arith.constant 0 : i32
      %dma_start3A_13 = arith.constant 0 : i32
      %dma_start3A_14 = tpu.memref_slice %arg6[%arg0, %dma_start3A, %dma_start3A_13] : memref<2x9984x128xf32, #tpu.memory_space<hbm>> -> memref<1x9984x128xf32, #tpu.memory_space<hbm>>
      %dma_start3A_15 = tpu.memref_squeeze %dma_start3A_14 : memref<1x9984x128xf32, #tpu.memory_space<hbm>> -> memref<9984x128xf32, #tpu.memory_space<hbm>>
      %dma_start3A_16 = arith.constant 0 : i32
      %dma_start3A_17 = tpu.memref_slice %dma_start3A_15[%mul3A_12, %dma_start3A_16] : memref<9984x128xf32, #tpu.memory_space<hbm>> -> memref<624x128xf32, #tpu.memory_space<hbm>>
      %dma_start3A_18 = arith.constant 0 : i32
      %dma_start3A_19 = tpu.memref_slice %arg11[%mul3A_10, %dma_start3A_18] : memref<10112x128xf32, #tpu.memory_space<vmem_shared>> -> memref<624x128xf32, #tpu.memory_space<vmem_shared>>
      tpu.enqueue_dma source(%dma_start3A_19 : memref<624x128xf32, #tpu.memory_space<vmem_shared>>) target(%dma_start3A_17 : memref<624x128xf32, #tpu.memory_space<hbm>>) target_semaphore(%run_scoped3A : memref<!tpu.dma_semaphore, #tpu.memory_space<semaphore_mem>>)
      %dma_wait3A = arith.constant 0 : i32
      %dma_wait3A_20 = arith.constant 0 : i32
      %dma_wait3A_21 = tpu.memref_slice %arg6[%arg0, %dma_wait3A, %dma_wait3A_20] : memref<2x9984x128xf32, #tpu.memory_space<hbm>> -> memref<1x9984x128xf32, #tpu.memory_space<hbm>>
      %dma_wait3A_22 = tpu.memref_squeeze %dma_wait3A_21 : memref<1x9984x128xf32, #tpu.memory_space<hbm>> -> memref<9984x128xf32, #tpu.memory_space<hbm>>
      %dma_wait3A_23 = arith.constant 0 : i32
      %dma_wait3A_24 = tpu.memref_slice %dma_wait3A_22[%mul3A_12, %dma_wait3A_23] : memref<9984x128xf32, #tpu.memory_space<hbm>> -> memref<624x128xf32, #tpu.memory_space<hbm>>
      %dma_wait3A_25 = arith.constant 0 : i32
      %dma_wait3A_26 = tpu.memref_slice %arg11[%mul3A_10, %dma_wait3A_25] : memref<10112x128xf32, #tpu.memory_space<vmem_shared>> -> memref<624x128xf32, #tpu.memory_space<vmem_shared>>
      tpu.wait_dma2 semaphore(%run_scoped3A : memref<!tpu.dma_semaphore, #tpu.memory_space<semaphore_mem>>) src(%dma_wait3A_26 : memref<624x128xf32, #tpu.memory_space<vmem_shared>>) dst(%dma_wait3A_24 : memref<624x128xf32, #tpu.memory_space<hbm>>)
      tpu.yield
    }) : () -> ()
    return
  }
}

#map = affine_map<(d0, d1) -> (0, 0)>
#map1 = affine_map<(d0, d1) -> (0, 0, 0, 0)>
#map2 = affine_map<(d0, d1) -> (0, 0, 0)>
module attributes {stable_mosaic.version = 14 : i64} {
  func.func @_sc_agg(%arg0: i32, %arg1: i32, %arg2: memref<79872x128xf32, #tpu.memory_space<hbm>>, %arg3: memref<2x16x160x128xi32, #tpu.memory_space<hbm>>, %arg4: memref<16x160x128xi32, #tpu.memory_space<hbm>>, %arg5: memref<10112x128xf32, #tpu.memory_space<hbm>>, %arg6: memref<2x9984x128xf32, #tpu.memory_space<hbm>>, %arg7: memref<32x128xi32, #tpu.memory_space<vmem>>, %arg8: memref<32x128xi32, #tpu.memory_space<vmem>>, %arg9: memref<128x128xf32, #tpu.memory_space<vmem>>, %arg10: memref<128x128xf32, #tpu.memory_space<vmem>>, %arg11: memref<10112x128xf32, #tpu.memory_space<vmem_shared>>, %arg12: memref<!tpu.dma_semaphore, #tpu.memory_space<semaphore_mem>>, %arg13: memref<!tpu.dma_semaphore, #tpu.memory_space<semaphore_mem>>) attributes {dimension_semantics = [#tpu.dimension_semantics<core_parallel>, #tpu.dimension_semantics<subcore_parallel>], iteration_bounds = array<i64: 2, 16>, scalar_prefetch = 0 : i64, scratch_operands = 7 : i64, tpu.core_type = #tpu.core_type<sc_vector_subcore>, window_params = [{transform_indices = #map}, {transform_indices = #map1}, {transform_indices = #map2}, {transform_indices = #map}, {transform_indices = #map2}]} {
    %mul3A = arith.constant 632 : i32
    %mul3A_0 = arith.muli %arg1, %mul3A : i32
    %mul3A_1 = arith.constant 632 : i32
    %mul3A_2 = arith.muli %arg1, %mul3A_1 : i32
    "tpu.region"() ({
      %run_scoped3A = tpu.sem_alloc : memref<!tpu.dma_semaphore, #tpu.memory_space<semaphore_mem>>
      %dma_start3A = arith.constant 0 : i32
      %dma_start3A_13 = tpu.memref_slice %arg11[%mul3A_2, %dma_start3A] : memref<10112x128xf32, #tpu.memory_space<vmem_shared>> -> memref<632x128xf32, #tpu.memory_space<vmem_shared>>
      %dma_start3A_14 = arith.constant 0 : i32
      %dma_start3A_15 = tpu.memref_slice %arg5[%mul3A_0, %dma_start3A_14] : memref<10112x128xf32, #tpu.memory_space<hbm>> -> memref<632x128xf32, #tpu.memory_space<hbm>>
      tpu.enqueue_dma source(%dma_start3A_15 : memref<632x128xf32, #tpu.memory_space<hbm>>) target(%dma_start3A_13 : memref<632x128xf32, #tpu.memory_space<vmem_shared>>) target_semaphore(%run_scoped3A : memref<!tpu.dma_semaphore, #tpu.memory_space<semaphore_mem>>)
      %dma_wait3A = arith.constant 0 : i32
      %dma_wait3A_16 = tpu.memref_slice %arg11[%mul3A_2, %dma_wait3A] : memref<10112x128xf32, #tpu.memory_space<vmem_shared>> -> memref<632x128xf32, #tpu.memory_space<vmem_shared>>
      %dma_wait3A_17 = arith.constant 0 : i32
      %dma_wait3A_18 = tpu.memref_slice %arg5[%mul3A_0, %dma_wait3A_17] : memref<10112x128xf32, #tpu.memory_space<hbm>> -> memref<632x128xf32, #tpu.memory_space<hbm>>
      tpu.wait_dma2 semaphore(%run_scoped3A : memref<!tpu.dma_semaphore, #tpu.memory_space<semaphore_mem>>) src(%dma_wait3A_18 : memref<632x128xf32, #tpu.memory_space<hbm>>) dst(%dma_wait3A_16 : memref<632x128xf32, #tpu.memory_space<vmem_shared>>)
      tpu.yield
    }) : () -> ()
    %barrier3A = arith.constant 0 : index
    tpu.barrier barrier_id(%barrier3A)
    %scan3A = arith.constant 0 : i32
    %scan3A_3 = arith.constant 0 : i32
    %scan3A_4 = arith.constant 5 : i32
    %scan3A_5 = arith.addi %scan3A_3, %scan3A_4 : i32
    %scan3A_6 = arith.constant 1 : i32
    scf.for %scan3A_13 = %scan3A_3 to %scan3A_5 step %scan3A_6  : i32 {
      %mul3A_14 = arith.constant 32 : i32
      %mul3A_15 = arith.muli %scan3A_13, %mul3A_14 : i32
      "tpu.region"() ({
        %run_scoped3A = tpu.sem_alloc : memref<!tpu.dma_semaphore, #tpu.memory_space<semaphore_mem>>
        %dma_start3A_35 = arith.constant 0 : i32
        %dma_start3A_36 = arith.constant 0 : i32
        %dma_start3A_37 = arith.constant 0 : i32
        %dma_start3A_38 = tpu.memref_slice %arg3[%arg0, %dma_start3A_35, %dma_start3A_36, %dma_start3A_37] : memref<2x16x160x128xi32, #tpu.memory_space<hbm>> -> memref<1x16x160x128xi32, #tpu.memory_space<hbm>>
        %dma_start3A_39 = tpu.memref_squeeze %dma_start3A_38 : memref<1x16x160x128xi32, #tpu.memory_space<hbm>> -> memref<16x160x128xi32, #tpu.memory_space<hbm>>
        %dma_start3A_40 = arith.constant 0 : i32
        %dma_start3A_41 = arith.constant 0 : i32
        %dma_start3A_42 = tpu.memref_slice %dma_start3A_39[%arg1, %dma_start3A_40, %dma_start3A_41] : memref<16x160x128xi32, #tpu.memory_space<hbm>> -> memref<1x160x128xi32, #tpu.memory_space<hbm>>
        %dma_start3A_43 = tpu.memref_squeeze %dma_start3A_42 : memref<1x160x128xi32, #tpu.memory_space<hbm>> -> memref<160x128xi32, #tpu.memory_space<hbm>>
        %dma_start3A_44 = arith.constant 0 : i32
        %dma_start3A_45 = tpu.memref_slice %dma_start3A_43[%mul3A_15, %dma_start3A_44] : memref<160x128xi32, #tpu.memory_space<hbm>> -> memref<32x128xi32, #tpu.memory_space<hbm>>
        %dma_start3A_46 = arith.constant 0 : i32
        %dma_start3A_47 = arith.constant 0 : i32
        %dma_start3A_48 = arith.constant 0 : i32
        %dma_start3A_49 = tpu.memref_slice %arg3[%arg0, %dma_start3A_46, %dma_start3A_47, %dma_start3A_48] : memref<2x16x160x128xi32, #tpu.memory_space<hbm>> -> memref<1x16x160x128xi32, #tpu.memory_space<hbm>>
        %dma_start3A_50 = tpu.memref_squeeze %dma_start3A_49 : memref<1x16x160x128xi32, #tpu.memory_space<hbm>> -> memref<16x160x128xi32, #tpu.memory_space<hbm>>
        %dma_start3A_51 = arith.constant 0 : i32
        %dma_start3A_52 = arith.constant 0 : i32
        %dma_start3A_53 = tpu.memref_slice %dma_start3A_50[%arg1, %dma_start3A_51, %dma_start3A_52] : memref<16x160x128xi32, #tpu.memory_space<hbm>> -> memref<1x160x128xi32, #tpu.memory_space<hbm>>
        %dma_start3A_54 = tpu.memref_squeeze %dma_start3A_53 : memref<1x160x128xi32, #tpu.memory_space<hbm>> -> memref<160x128xi32, #tpu.memory_space<hbm>>
        %dma_start3A_55 = arith.constant 0 : i32
        %dma_start3A_56 = tpu.memref_slice %dma_start3A_54[%mul3A_15, %dma_start3A_55] : memref<160x128xi32, #tpu.memory_space<hbm>> -> memref<32x128xi32, #tpu.memory_space<hbm>>
        tpu.enqueue_dma source(%dma_start3A_56 : memref<32x128xi32, #tpu.memory_space<hbm>>) target(%arg7 : memref<32x128xi32, #tpu.memory_space<vmem>>) target_semaphore(%run_scoped3A : memref<!tpu.dma_semaphore, #tpu.memory_space<semaphore_mem>>)
        %dma_wait3A_57 = arith.constant 0 : i32
        %dma_wait3A_58 = arith.constant 0 : i32
        %dma_wait3A_59 = arith.constant 0 : i32
        %dma_wait3A_60 = tpu.memref_slice %arg3[%arg0, %dma_wait3A_57, %dma_wait3A_58, %dma_wait3A_59] : memref<2x16x160x128xi32, #tpu.memory_space<hbm>> -> memref<1x16x160x128xi32, #tpu.memory_space<hbm>>
        %dma_wait3A_61 = tpu.memref_squeeze %dma_wait3A_60 : memref<1x16x160x128xi32, #tpu.memory_space<hbm>> -> memref<16x160x128xi32, #tpu.memory_space<hbm>>
        %dma_wait3A_62 = arith.constant 0 : i32
        %dma_wait3A_63 = arith.constant 0 : i32
        %dma_wait3A_64 = tpu.memref_slice %dma_wait3A_61[%arg1, %dma_wait3A_62, %dma_wait3A_63] : memref<16x160x128xi32, #tpu.memory_space<hbm>> -> memref<1x160x128xi32, #tpu.memory_space<hbm>>
        %dma_wait3A_65 = tpu.memref_squeeze %dma_wait3A_64 : memref<1x160x128xi32, #tpu.memory_space<hbm>> -> memref<160x128xi32, #tpu.memory_space<hbm>>
        %dma_wait3A_66 = arith.constant 0 : i32
        %dma_wait3A_67 = tpu.memref_slice %dma_wait3A_65[%mul3A_15, %dma_wait3A_66] : memref<160x128xi32, #tpu.memory_space<hbm>> -> memref<32x128xi32, #tpu.memory_space<hbm>>
        %dma_wait3A_68 = arith.constant 0 : i32
        %dma_wait3A_69 = arith.constant 0 : i32
        %dma_wait3A_70 = arith.constant 0 : i32
        %dma_wait3A_71 = tpu.memref_slice %arg3[%arg0, %dma_wait3A_68, %dma_wait3A_69, %dma_wait3A_70] : memref<2x16x160x128xi32, #tpu.memory_space<hbm>> -> memref<1x16x160x128xi32, #tpu.memory_space<hbm>>
        %dma_wait3A_72 = tpu.memref_squeeze %dma_wait3A_71 : memref<1x16x160x128xi32, #tpu.memory_space<hbm>> -> memref<16x160x128xi32, #tpu.memory_space<hbm>>
        %dma_wait3A_73 = arith.constant 0 : i32
        %dma_wait3A_74 = arith.constant 0 : i32
        %dma_wait3A_75 = tpu.memref_slice %dma_wait3A_72[%arg1, %dma_wait3A_73, %dma_wait3A_74] : memref<16x160x128xi32, #tpu.memory_space<hbm>> -> memref<1x160x128xi32, #tpu.memory_space<hbm>>
        %dma_wait3A_76 = tpu.memref_squeeze %dma_wait3A_75 : memref<1x160x128xi32, #tpu.memory_space<hbm>> -> memref<160x128xi32, #tpu.memory_space<hbm>>
        %dma_wait3A_77 = arith.constant 0 : i32
        %dma_wait3A_78 = tpu.memref_slice %dma_wait3A_76[%mul3A_15, %dma_wait3A_77] : memref<160x128xi32, #tpu.memory_space<hbm>> -> memref<32x128xi32, #tpu.memory_space<hbm>>
        tpu.wait_dma2 semaphore(%run_scoped3A : memref<!tpu.dma_semaphore, #tpu.memory_space<semaphore_mem>>) src(%dma_wait3A_78 : memref<32x128xi32, #tpu.memory_space<hbm>>) dst(%arg7 : memref<32x128xi32, #tpu.memory_space<vmem>>)
        tpu.yield
      }) : () -> ()
      %mul3A_16 = arith.constant 32 : i32
      %mul3A_17 = arith.muli %scan3A_13, %mul3A_16 : i32
      "tpu.region"() ({
        %run_scoped3A = tpu.sem_alloc : memref<!tpu.dma_semaphore, #tpu.memory_space<semaphore_mem>>
        %dma_start3A_35 = arith.constant 0 : i32
        %dma_start3A_36 = arith.constant 0 : i32
        %dma_start3A_37 = tpu.memref_slice %arg4[%arg1, %dma_start3A_35, %dma_start3A_36] : memref<16x160x128xi32, #tpu.memory_space<hbm>> -> memref<1x160x128xi32, #tpu.memory_space<hbm>>
        %dma_start3A_38 = tpu.memref_squeeze %dma_start3A_37 : memref<1x160x128xi32, #tpu.memory_space<hbm>> -> memref<160x128xi32, #tpu.memory_space<hbm>>
        %dma_start3A_39 = arith.constant 0 : i32
        %dma_start3A_40 = tpu.memref_slice %dma_start3A_38[%mul3A_17, %dma_start3A_39] : memref<160x128xi32, #tpu.memory_space<hbm>> -> memref<32x128xi32, #tpu.memory_space<hbm>>
        %dma_start3A_41 = arith.constant 0 : i32
        %dma_start3A_42 = arith.constant 0 : i32
        %dma_start3A_43 = tpu.memref_slice %arg4[%arg1, %dma_start3A_41, %dma_start3A_42] : memref<16x160x128xi32, #tpu.memory_space<hbm>> -> memref<1x160x128xi32, #tpu.memory_space<hbm>>
        %dma_start3A_44 = tpu.memref_squeeze %dma_start3A_43 : memref<1x160x128xi32, #tpu.memory_space<hbm>> -> memref<160x128xi32, #tpu.memory_space<hbm>>
        %dma_start3A_45 = arith.constant 0 : i32
        %dma_start3A_46 = tpu.memref_slice %dma_start3A_44[%mul3A_17, %dma_start3A_45] : memref<160x128xi32, #tpu.memory_space<hbm>> -> memref<32x128xi32, #tpu.memory_space<hbm>>
        tpu.enqueue_dma source(%dma_start3A_46 : memref<32x128xi32, #tpu.memory_space<hbm>>) target(%arg8 : memref<32x128xi32, #tpu.memory_space<vmem>>) target_semaphore(%run_scoped3A : memref<!tpu.dma_semaphore, #tpu.memory_space<semaphore_mem>>)
        %dma_wait3A_47 = arith.constant 0 : i32
        %dma_wait3A_48 = arith.constant 0 : i32
        %dma_wait3A_49 = tpu.memref_slice %arg4[%arg1, %dma_wait3A_47, %dma_wait3A_48] : memref<16x160x128xi32, #tpu.memory_space<hbm>> -> memref<1x160x128xi32, #tpu.memory_space<hbm>>
        %dma_wait3A_50 = tpu.memref_squeeze %dma_wait3A_49 : memref<1x160x128xi32, #tpu.memory_space<hbm>> -> memref<160x128xi32, #tpu.memory_space<hbm>>
        %dma_wait3A_51 = arith.constant 0 : i32
        %dma_wait3A_52 = tpu.memref_slice %dma_wait3A_50[%mul3A_17, %dma_wait3A_51] : memref<160x128xi32, #tpu.memory_space<hbm>> -> memref<32x128xi32, #tpu.memory_space<hbm>>
        %dma_wait3A_53 = arith.constant 0 : i32
        %dma_wait3A_54 = arith.constant 0 : i32
        %dma_wait3A_55 = tpu.memref_slice %arg4[%arg1, %dma_wait3A_53, %dma_wait3A_54] : memref<16x160x128xi32, #tpu.memory_space<hbm>> -> memref<1x160x128xi32, #tpu.memory_space<hbm>>
        %dma_wait3A_56 = tpu.memref_squeeze %dma_wait3A_55 : memref<1x160x128xi32, #tpu.memory_space<hbm>> -> memref<160x128xi32, #tpu.memory_space<hbm>>
        %dma_wait3A_57 = arith.constant 0 : i32
        %dma_wait3A_58 = tpu.memref_slice %dma_wait3A_56[%mul3A_17, %dma_wait3A_57] : memref<160x128xi32, #tpu.memory_space<hbm>> -> memref<32x128xi32, #tpu.memory_space<hbm>>
        tpu.wait_dma2 semaphore(%run_scoped3A : memref<!tpu.dma_semaphore, #tpu.memory_space<semaphore_mem>>) src(%dma_wait3A_58 : memref<32x128xi32, #tpu.memory_space<hbm>>) dst(%arg8 : memref<32x128xi32, #tpu.memory_space<vmem>>)
        tpu.yield
      }) : () -> ()
      %dma_start3A = arith.constant 0 : i32
      %dma_start3A_18 = arith.constant 0 : i32
      %dma_start3A_19 = tpu.memref_slice %arg7[%dma_start3A, %dma_start3A_18] : memref<32x128xi32, #tpu.memory_space<vmem>> -> memref<1x128xi32, #tpu.memory_space<vmem>>
      %dma_start3A_20 = tpu.memref_squeeze %dma_start3A_19 : memref<1x128xi32, #tpu.memory_space<vmem>> -> memref<128xi32, #tpu.memory_space<vmem>>
      %dma_start3A_21 = arith.constant 0 : i32
      %dma_start3A_22 = arith.constant 0 : i32
      %dma_start3A_23 = tpu.memref_slice %arg2[%dma_start3A_21, %dma_start3A_22] : memref<79872x128xf32, #tpu.memory_space<hbm>> -> memref<79872x128xf32, #tpu.memory_space<hbm>>
      tpu.enqueue_indirect_dma source(%dma_start3A_23 : memref<79872x128xf32, #tpu.memory_space<hbm>>) target(%arg9 : memref<128x128xf32, #tpu.memory_space<vmem>>) offsets(%dma_start3A_20 : memref<128xi32, #tpu.memory_space<vmem>>) semaphore(%arg12 : memref<!tpu.dma_semaphore, #tpu.memory_space<semaphore_mem>>)
      %scan3A_24 = arith.constant 0 : i32
      %scan3A_25 = arith.constant 16 : i32
      %scan3A_26 = arith.addi %scan3A_24, %scan3A_25 : i32
      %scan3A_27 = arith.constant 1 : i32
      scf.for %scan3A_35 = %scan3A_24 to %scan3A_26 step %scan3A_27  : i32 {
        %mul3A_36 = arith.constant 2 : i32
        %mul3A_37 = arith.muli %mul3A_36, %scan3A_35 : i32
        %add3A = arith.constant 1 : i32
        %add3A_38 = arith.addi %mul3A_37, %add3A : i32
        %dma_start3A_39 = arith.constant 0 : i32
        %dma_start3A_40 = tpu.memref_slice %arg7[%add3A_38, %dma_start3A_39] : memref<32x128xi32, #tpu.memory_space<vmem>> -> memref<1x128xi32, #tpu.memory_space<vmem>>
        %dma_start3A_41 = tpu.memref_squeeze %dma_start3A_40 : memref<1x128xi32, #tpu.memory_space<vmem>> -> memref<128xi32, #tpu.memory_space<vmem>>
        %dma_start3A_42 = arith.constant 0 : i32
        %dma_start3A_43 = arith.constant 0 : i32
        %dma_start3A_44 = tpu.memref_slice %arg2[%dma_start3A_42, %dma_start3A_43] : memref<79872x128xf32, #tpu.memory_space<hbm>> -> memref<79872x128xf32, #tpu.memory_space<hbm>>
        tpu.enqueue_indirect_dma source(%dma_start3A_44 : memref<79872x128xf32, #tpu.memory_space<hbm>>) target(%arg10 : memref<128x128xf32, #tpu.memory_space<vmem>>) offsets(%dma_start3A_41 : memref<128xi32, #tpu.memory_space<vmem>>) semaphore(%arg13 : memref<!tpu.dma_semaphore, #tpu.memory_space<semaphore_mem>>)
        %dma_wait3A_45 = arith.constant 0 : i32
        %dma_wait3A_46 = tpu.memref_slice %arg7[%mul3A_37, %dma_wait3A_45] : memref<32x128xi32, #tpu.memory_space<vmem>> -> memref<1x128xi32, #tpu.memory_space<vmem>>
        %dma_wait3A_47 = tpu.memref_squeeze %dma_wait3A_46 : memref<1x128xi32, #tpu.memory_space<vmem>> -> memref<128xi32, #tpu.memory_space<vmem>>
        %dma_wait3A_48 = arith.constant 0 : i32
        %dma_wait3A_49 = arith.constant 0 : i32
        %dma_wait3A_50 = tpu.memref_slice %arg2[%dma_wait3A_48, %dma_wait3A_49] : memref<79872x128xf32, #tpu.memory_space<hbm>> -> memref<79872x128xf32, #tpu.memory_space<hbm>>
        tpu.wait_indirect_dma semaphore(%arg12 : memref<!tpu.dma_semaphore, #tpu.memory_space<semaphore_mem>>) src(%dma_wait3A_50 : memref<79872x128xf32, #tpu.memory_space<hbm>>) dst(%arg9 : memref<128x128xf32, #tpu.memory_space<vmem>>)
        "tpu.region"() ({
          %run_scoped3A = tpu.sem_alloc : memref<!tpu.dma_semaphore, #tpu.memory_space<semaphore_mem>>
          %dma_start3A_70 = arith.constant 0 : i32
          %dma_start3A_71 = tpu.memref_slice %arg8[%mul3A_37, %dma_start3A_70] : memref<32x128xi32, #tpu.memory_space<vmem>> -> memref<1x128xi32, #tpu.memory_space<vmem>>
          %dma_start3A_72 = tpu.memref_squeeze %dma_start3A_71 : memref<1x128xi32, #tpu.memory_space<vmem>> -> memref<128xi32, #tpu.memory_space<vmem>>
          %dma_start3A_73 = arith.constant 0 : i32
          %dma_start3A_74 = arith.constant 0 : i32
          %dma_start3A_75 = tpu.memref_slice %arg11[%dma_start3A_73, %dma_start3A_74] : memref<10112x128xf32, #tpu.memory_space<vmem_shared>> -> memref<10112x128xf32, #tpu.memory_space<vmem_shared>>
          tpu.enqueue_indirect_dma source(%arg9 : memref<128x128xf32, #tpu.memory_space<vmem>>) target(%dma_start3A_75 : memref<10112x128xf32, #tpu.memory_space<vmem_shared>>) offsets(%dma_start3A_72 : memref<128xi32, #tpu.memory_space<vmem>>) semaphore(%run_scoped3A : memref<!tpu.dma_semaphore, #tpu.memory_space<semaphore_mem>>) {add = true}
          %dma_wait3A_76 = arith.constant 0 : i32
          %dma_wait3A_77 = tpu.memref_slice %arg8[%mul3A_37, %dma_wait3A_76] : memref<32x128xi32, #tpu.memory_space<vmem>> -> memref<1x128xi32, #tpu.memory_space<vmem>>
          %dma_wait3A_78 = tpu.memref_squeeze %dma_wait3A_77 : memref<1x128xi32, #tpu.memory_space<vmem>> -> memref<128xi32, #tpu.memory_space<vmem>>
          %dma_wait3A_79 = arith.constant 0 : i32
          %dma_wait3A_80 = arith.constant 0 : i32
          %dma_wait3A_81 = tpu.memref_slice %arg11[%dma_wait3A_79, %dma_wait3A_80] : memref<10112x128xf32, #tpu.memory_space<vmem_shared>> -> memref<10112x128xf32, #tpu.memory_space<vmem_shared>>
          tpu.wait_indirect_dma semaphore(%run_scoped3A : memref<!tpu.dma_semaphore, #tpu.memory_space<semaphore_mem>>) src(%arg9 : memref<128x128xf32, #tpu.memory_space<vmem>>) dst(%dma_wait3A_81 : memref<10112x128xf32, #tpu.memory_space<vmem_shared>>)
          tpu.yield
        }) : () -> ()
        %add3A_51 = arith.constant 2 : i32
        %add3A_52 = arith.addi %mul3A_37, %add3A_51 : i32
        %min3A = arith.constant 31 : i32
        %min3A_53 = arith.minsi %add3A_52, %min3A : i32
        %dma_start3A_54 = arith.constant 0 : i32
        %dma_start3A_55 = tpu.memref_slice %arg7[%min3A_53, %dma_start3A_54] : memref<32x128xi32, #tpu.memory_space<vmem>> -> memref<1x128xi32, #tpu.memory_space<vmem>>
        %dma_start3A_56 = tpu.memref_squeeze %dma_start3A_55 : memref<1x128xi32, #tpu.memory_space<vmem>> -> memref<128xi32, #tpu.memory_space<vmem>>
        %dma_start3A_57 = arith.constant 0 : i32
        %dma_start3A_58 = arith.constant 0 : i32
        %dma_start3A_59 = tpu.memref_slice %arg2[%dma_start3A_57, %dma_start3A_58] : memref<79872x128xf32, #tpu.memory_space<hbm>> -> memref<79872x128xf32, #tpu.memory_space<hbm>>
        tpu.enqueue_indirect_dma source(%dma_start3A_59 : memref<79872x128xf32, #tpu.memory_space<hbm>>) target(%arg9 : memref<128x128xf32, #tpu.memory_space<vmem>>) offsets(%dma_start3A_56 : memref<128xi32, #tpu.memory_space<vmem>>) semaphore(%arg12 : memref<!tpu.dma_semaphore, #tpu.memory_space<semaphore_mem>>)
        %add3A_60 = arith.constant 1 : i32
        %add3A_61 = arith.addi %mul3A_37, %add3A_60 : i32
        %dma_wait3A_62 = arith.constant 0 : i32
        %dma_wait3A_63 = tpu.memref_slice %arg7[%add3A_61, %dma_wait3A_62] : memref<32x128xi32, #tpu.memory_space<vmem>> -> memref<1x128xi32, #tpu.memory_space<vmem>>
        %dma_wait3A_64 = tpu.memref_squeeze %dma_wait3A_63 : memref<1x128xi32, #tpu.memory_space<vmem>> -> memref<128xi32, #tpu.memory_space<vmem>>
        %dma_wait3A_65 = arith.constant 0 : i32
        %dma_wait3A_66 = arith.constant 0 : i32
        %dma_wait3A_67 = tpu.memref_slice %arg2[%dma_wait3A_65, %dma_wait3A_66] : memref<79872x128xf32, #tpu.memory_space<hbm>> -> memref<79872x128xf32, #tpu.memory_space<hbm>>
        tpu.wait_indirect_dma semaphore(%arg13 : memref<!tpu.dma_semaphore, #tpu.memory_space<semaphore_mem>>) src(%dma_wait3A_67 : memref<79872x128xf32, #tpu.memory_space<hbm>>) dst(%arg10 : memref<128x128xf32, #tpu.memory_space<vmem>>)
        %add3A_68 = arith.constant 1 : i32
        %add3A_69 = arith.addi %mul3A_37, %add3A_68 : i32
        "tpu.region"() ({
          %run_scoped3A = tpu.sem_alloc : memref<!tpu.dma_semaphore, #tpu.memory_space<semaphore_mem>>
          %dma_start3A_70 = arith.constant 0 : i32
          %dma_start3A_71 = tpu.memref_slice %arg8[%add3A_69, %dma_start3A_70] : memref<32x128xi32, #tpu.memory_space<vmem>> -> memref<1x128xi32, #tpu.memory_space<vmem>>
          %dma_start3A_72 = tpu.memref_squeeze %dma_start3A_71 : memref<1x128xi32, #tpu.memory_space<vmem>> -> memref<128xi32, #tpu.memory_space<vmem>>
          %dma_start3A_73 = arith.constant 0 : i32
          %dma_start3A_74 = arith.constant 0 : i32
          %dma_start3A_75 = tpu.memref_slice %arg11[%dma_start3A_73, %dma_start3A_74] : memref<10112x128xf32, #tpu.memory_space<vmem_shared>> -> memref<10112x128xf32, #tpu.memory_space<vmem_shared>>
          tpu.enqueue_indirect_dma source(%arg10 : memref<128x128xf32, #tpu.memory_space<vmem>>) target(%dma_start3A_75 : memref<10112x128xf32, #tpu.memory_space<vmem_shared>>) offsets(%dma_start3A_72 : memref<128xi32, #tpu.memory_space<vmem>>) semaphore(%run_scoped3A : memref<!tpu.dma_semaphore, #tpu.memory_space<semaphore_mem>>) {add = true}
          %dma_wait3A_76 = arith.constant 0 : i32
          %dma_wait3A_77 = tpu.memref_slice %arg8[%add3A_69, %dma_wait3A_76] : memref<32x128xi32, #tpu.memory_space<vmem>> -> memref<1x128xi32, #tpu.memory_space<vmem>>
          %dma_wait3A_78 = tpu.memref_squeeze %dma_wait3A_77 : memref<1x128xi32, #tpu.memory_space<vmem>> -> memref<128xi32, #tpu.memory_space<vmem>>
          %dma_wait3A_79 = arith.constant 0 : i32
          %dma_wait3A_80 = arith.constant 0 : i32
          %dma_wait3A_81 = tpu.memref_slice %arg11[%dma_wait3A_79, %dma_wait3A_80] : memref<10112x128xf32, #tpu.memory_space<vmem_shared>> -> memref<10112x128xf32, #tpu.memory_space<vmem_shared>>
          tpu.wait_indirect_dma semaphore(%run_scoped3A : memref<!tpu.dma_semaphore, #tpu.memory_space<semaphore_mem>>) src(%arg10 : memref<128x128xf32, #tpu.memory_space<vmem>>) dst(%dma_wait3A_81 : memref<10112x128xf32, #tpu.memory_space<vmem_shared>>)
          tpu.yield
        }) : () -> ()
      }
      %scan3A_28 = arith.constant 16 : i32
      %dma_wait3A = arith.constant 0 : i32
      %dma_wait3A_29 = arith.constant 0 : i32
      %dma_wait3A_30 = tpu.memref_slice %arg7[%dma_wait3A, %dma_wait3A_29] : memref<32x128xi32, #tpu.memory_space<vmem>> -> memref<1x128xi32, #tpu.memory_space<vmem>>
      %dma_wait3A_31 = tpu.memref_squeeze %dma_wait3A_30 : memref<1x128xi32, #tpu.memory_space<vmem>> -> memref<128xi32, #tpu.memory_space<vmem>>
      %dma_wait3A_32 = arith.constant 0 : i32
      %dma_wait3A_33 = arith.constant 0 : i32
      %dma_wait3A_34 = tpu.memref_slice %arg2[%dma_wait3A_32, %dma_wait3A_33] : memref<79872x128xf32, #tpu.memory_space<hbm>> -> memref<79872x128xf32, #tpu.memory_space<hbm>>
      tpu.wait_indirect_dma semaphore(%arg12 : memref<!tpu.dma_semaphore, #tpu.memory_space<semaphore_mem>>) src(%dma_wait3A_34 : memref<79872x128xf32, #tpu.memory_space<hbm>>) dst(%arg9 : memref<128x128xf32, #tpu.memory_space<vmem>>)
    }
    %scan3A_7 = arith.constant 5 : i32
    %barrier3A_8 = arith.constant 0 : index
    tpu.barrier barrier_id(%barrier3A_8)
    %mul3A_9 = arith.constant 624 : i32
    %mul3A_10 = arith.muli %arg1, %mul3A_9 : i32
    %mul3A_11 = arith.constant 624 : i32
    %mul3A_12 = arith.muli %arg1, %mul3A_11 : i32
    "tpu.region"() ({
      %run_scoped3A = tpu.sem_alloc : memref<!tpu.dma_semaphore, #tpu.memory_space<semaphore_mem>>
      %dma_start3A = arith.constant 0 : i32
      %dma_start3A_13 = arith.constant 0 : i32
      %dma_start3A_14 = tpu.memref_slice %arg6[%arg0, %dma_start3A, %dma_start3A_13] : memref<2x9984x128xf32, #tpu.memory_space<hbm>> -> memref<1x9984x128xf32, #tpu.memory_space<hbm>>
      %dma_start3A_15 = tpu.memref_squeeze %dma_start3A_14 : memref<1x9984x128xf32, #tpu.memory_space<hbm>> -> memref<9984x128xf32, #tpu.memory_space<hbm>>
      %dma_start3A_16 = arith.constant 0 : i32
      %dma_start3A_17 = tpu.memref_slice %dma_start3A_15[%mul3A_12, %dma_start3A_16] : memref<9984x128xf32, #tpu.memory_space<hbm>> -> memref<624x128xf32, #tpu.memory_space<hbm>>
      %dma_start3A_18 = arith.constant 0 : i32
      %dma_start3A_19 = tpu.memref_slice %arg11[%mul3A_10, %dma_start3A_18] : memref<10112x128xf32, #tpu.memory_space<vmem_shared>> -> memref<624x128xf32, #tpu.memory_space<vmem_shared>>
      tpu.enqueue_dma source(%dma_start3A_19 : memref<624x128xf32, #tpu.memory_space<vmem_shared>>) target(%dma_start3A_17 : memref<624x128xf32, #tpu.memory_space<hbm>>) target_semaphore(%run_scoped3A : memref<!tpu.dma_semaphore, #tpu.memory_space<semaphore_mem>>)
      %dma_wait3A = arith.constant 0 : i32
      %dma_wait3A_20 = arith.constant 0 : i32
      %dma_wait3A_21 = tpu.memref_slice %arg6[%arg0, %dma_wait3A, %dma_wait3A_20] : memref<2x9984x128xf32, #tpu.memory_space<hbm>> -> memref<1x9984x128xf32, #tpu.memory_space<hbm>>
      %dma_wait3A_22 = tpu.memref_squeeze %dma_wait3A_21 : memref<1x9984x128xf32, #tpu.memory_space<hbm>> -> memref<9984x128xf32, #tpu.memory_space<hbm>>
      %dma_wait3A_23 = arith.constant 0 : i32
      %dma_wait3A_24 = tpu.memref_slice %dma_wait3A_22[%mul3A_12, %dma_wait3A_23] : memref<9984x128xf32, #tpu.memory_space<hbm>> -> memref<624x128xf32, #tpu.memory_space<hbm>>
      %dma_wait3A_25 = arith.constant 0 : i32
      %dma_wait3A_26 = tpu.memref_slice %arg11[%mul3A_10, %dma_wait3A_25] : memref<10112x128xf32, #tpu.memory_space<vmem_shared>> -> memref<624x128xf32, #tpu.memory_space<vmem_shared>>
      tpu.wait_dma2 semaphore(%run_scoped3A : memref<!tpu.dma_semaphore, #tpu.memory_space<semaphore_mem>>) src(%dma_wait3A_26 : memref<624x128xf32, #tpu.memory_space<vmem_shared>>) dst(%dma_wait3A_24 : memref<624x128xf32, #tpu.memory_space<hbm>>)
      tpu.yield
    }) : () -> ()
    return
  }
}

module attributes {stable_mosaic.version = 14 : i64} {
  func.func @_prep_body(%arg0: i32, %arg1: memref<4x155x60xf32, #tpu.memory_space<vmem>>, %arg2: memref<4x1x60xf32, #tpu.memory_space<vmem>>, %arg3: memref<4x155x256xf32, #tpu.memory_space<vmem>>, %arg4: memref<4x60x256xf32, #tpu.memory_space<vmem>>, %arg5: memref<513x256xf32, #tpu.memory_space<vmem>>, %arg6: memref<1x256xf32, #tpu.memory_space<vmem>>, %arg7: memref<1x256xf32, #tpu.memory_space<vmem>>, %arg8: memref<4x155x60xf32, #tpu.memory_space<vmem>>, %arg9: memref<4x156x256xf32, #tpu.memory_space<vmem>>) attributes {dimension_semantics = [#tpu.dimension_semantics<arbitrary>], iteration_bounds = array<i64: 16>, scalar_prefetch = 0 : i64, scratch_operands = 0 : i64, tpu.core_type = #tpu.core_type<tc>, window_params = [{transform_indices = @transform_0, window_bounds = array<i64: 4, 155, 60>}, {transform_indices = @transform_1, window_bounds = array<i64: 4, 1, 60>}, {transform_indices = @transform_2, window_bounds = array<i64: 4, 155, 256>}, {transform_indices = @transform_3, window_bounds = array<i64: 4, 60, 256>}, {pipeline_mode = #tpu.pipeline_mode<synchronous>, transform_indices = @transform_4, window_bounds = array<i64: 513, 256>}, {pipeline_mode = #tpu.pipeline_mode<synchronous>, transform_indices = @transform_5, window_bounds = array<i64: 1, 256>}, {pipeline_mode = #tpu.pipeline_mode<synchronous>, transform_indices = @transform_6, window_bounds = array<i64: 1, 256>}, {transform_indices = @transform_7, window_bounds = array<i64: 4, 155, 60>}, {transform_indices = @transform_8, window_bounds = array<i64: 4, 156, 256>}]} {
    %get3A = arith.constant 0 : index
    %get3A_0 = arith.constant 0 : index
    %get3A_1 = arith.constant 0 : index
    %get3A_2 = vector.load %arg1[%get3A, %get3A_0, %get3A_1] : memref<4x155x60xf32, #tpu.memory_space<vmem>>, vector<1x155x60xf32>
    %get3A_3 = vector.shape_cast %get3A_2 : vector<1x155x60xf32> to vector<155x60xf32>
    %get3A_4 = arith.constant 0 : index
    %get3A_5 = arith.constant 0 : index
    %get3A_6 = arith.constant 0 : index
    %get3A_7 = vector.load %arg2[%get3A_4, %get3A_5, %get3A_6] : memref<4x1x60xf32, #tpu.memory_space<vmem>>, vector<1x1x60xf32>
    %get3A_8 = vector.shape_cast %get3A_7 : vector<1x1x60xf32> to vector<60xf32>
    %broadcast_in_dim3A = vector.shape_cast %get3A_8 : vector<60xf32> to vector<1x60xf32>
    %mul3A = vector.broadcast %broadcast_in_dim3A : vector<1x60xf32> to vector<155x60xf32>
    %mul3A_9 = arith.mulf %get3A_3, %mul3A : vector<155x60xf32>
    %reduce_max3A = arith.constant dense<0xFF800000> : vector<155xf32>
    %reduce_max3A_10 = vector.multi_reduction <maximumf>, %mul3A_9, %reduce_max3A [1] : vector<155x60xf32> to vector<155xf32>
    %broadcast_in_dim3A_11 = vector.shape_cast %reduce_max3A_10 : vector<155xf32> to vector<155x1xf32>
    %max3A = arith.constant 0.000000e+00 : f32
    %max3A_12 = vector.broadcast %max3A : f32 to vector<155x1xf32>
    %max3A_13 = arith.maximumf %broadcast_in_dim3A_11, %max3A_12 : vector<155x1xf32>
    %sub3A = vector.broadcast %max3A_13 : vector<155x1xf32> to vector<155x60xf32>
    %sub3A_14 = arith.subf %mul3A_9, %sub3A : vector<155x60xf32>
    %exp3A = math.exp %sub3A_14 : vector<155x60xf32>
    %reduce_sum3A = arith.constant dense<0.000000e+00> : vector<155xf32>
    %reduce_sum3A_15 = vector.multi_reduction <add>, %exp3A, %reduce_sum3A [1] : vector<155x60xf32> to vector<155xf32>
    %broadcast_in_dim3A_16 = vector.shape_cast %reduce_sum3A_15 : vector<155xf32> to vector<155x1xf32>
    %neg3A = arith.constant 0.000000e+00 : f32
    %neg3A_17 = vector.broadcast %neg3A : f32 to vector<155x1xf32>
    %neg3A_18 = arith.subf %neg3A_17, %max3A_13 : vector<155x1xf32>
    %exp3A_19 = math.exp %neg3A_18 : vector<155x1xf32>
    %add3A = arith.addf %broadcast_in_dim3A_16, %exp3A_19 : vector<155x1xf32>
    %div3A = vector.broadcast %add3A : vector<155x1xf32> to vector<155x60xf32>
    %div3A_20 = arith.divf %exp3A, %div3A : vector<155x60xf32>
    %broadcast_in_dim3A_21 = vector.shape_cast %get3A_8 : vector<60xf32> to vector<1x60xf32>
    %mul3A_22 = vector.broadcast %broadcast_in_dim3A_21 : vector<1x60xf32> to vector<155x60xf32>
    %mul3A_23 = arith.mulf %div3A_20, %mul3A_22 : vector<155x60xf32>
    %reduce_sum3A_24 = arith.constant dense<0.000000e+00> : vector<155xf32>
    %reduce_sum3A_25 = vector.multi_reduction <add>, %mul3A_23, %reduce_sum3A_24 [1] : vector<155x60xf32> to vector<155xf32>
    %broadcast_in_dim3A_26 = vector.shape_cast %reduce_sum3A_25 : vector<155xf32> to vector<155x1xf32>
    %add3A_27 = arith.constant 9.99999982E-14 : f32
    %add3A_28 = vector.broadcast %add3A_27 : f32 to vector<155x1xf32>
    %add3A_29 = arith.addf %broadcast_in_dim3A_26, %add3A_28 : vector<155x1xf32>
    %div3A_30 = vector.broadcast %add3A_29 : vector<155x1xf32> to vector<155x60xf32>
    %div3A_31 = arith.divf %mul3A_23, %div3A_30 : vector<155x60xf32>
    %swap3A = arith.constant 0 : index
    %swap3A_32 = arith.constant 0 : index
    %swap3A_33 = arith.constant 0 : index
    %swap3A_34 = vector.load %arg8[%swap3A, %swap3A_32, %swap3A_33] : memref<4x155x60xf32, #tpu.memory_space<vmem>>, vector<1x155x60xf32>
    %swap3A_35 = vector.shape_cast %swap3A_34 : vector<1x155x60xf32> to vector<155x60xf32>
    %swap3A_36 = vector.shape_cast %div3A_31 : vector<155x60xf32> to vector<1x155x60xf32>
    tpu.vector_store %arg8[%swap3A, %swap3A_32, %swap3A_33], %swap3A_36 {strides = array<i32>} : memref<4x155x60xf32, #tpu.memory_space<vmem>>, vector<1x155x60xf32>,
    %reduce_max3A_37 = arith.constant dense<0xFF800000> : vector<155xf32>
    %reduce_max3A_38 = vector.multi_reduction <maximumf>, %div3A_31, %reduce_max3A_37 [1] : vector<155x60xf32> to vector<155xf32>
    %broadcast_in_dim3A_39 = vector.shape_cast %reduce_max3A_38 : vector<155xf32> to vector<155x1xf32>
    %get3A_40 = arith.constant 0 : index
    %get3A_41 = arith.constant 0 : index
    %get3A_42 = arith.constant 0 : index
    %get3A_43 = vector.load %arg4[%get3A_40, %get3A_41, %get3A_42] : memref<4x60x256xf32, #tpu.memory_space<vmem>>, vector<1x60x256xf32>
    %get3A_44 = vector.shape_cast %get3A_43 : vector<1x60x256xf32> to vector<60x256xf32>
    %dot_general3A = arith.constant dense<0.000000e+00> : vector<155x256xf32>
    %dot_general3A_45 = tpu.matmul %div3A_31, %get3A_44, %dot_general3A {dimension_numbers = #tpu.dot_dimension_numbers<[1], [0], [0], [1], [0, 0, 1, 1], [], []>, transpose_lhs_hint = false} : vector<155x60xf32>, vector<60x256xf32>, vector<155x256xf32> -> vector<155x256xf32>
    %get3A_46 = arith.constant 0 : index
    %get3A_47 = arith.constant 0 : index
    %get3A_48 = arith.constant 0 : index
    %get3A_49 = vector.load %arg3[%get3A_46, %get3A_47, %get3A_48] : memref<4x155x256xf32, #tpu.memory_space<vmem>>, vector<1x155x256xf32>
    %get3A_50 = vector.shape_cast %get3A_49 : vector<1x155x256xf32> to vector<155x256xf32>
    %get3A_51 = arith.constant 0 : index
    %get3A_52 = arith.constant 0 : index
    %get3A_53 = vector.load %arg5[%get3A_51, %get3A_52] : memref<513x256xf32, #tpu.memory_space<vmem>>, vector<256x256xf32>
    %dot_general3A_54 = arith.constant dense<0.000000e+00> : vector<155x256xf32>
    %dot_general3A_55 = tpu.matmul %get3A_50, %get3A_53, %dot_general3A_54 {dimension_numbers = #tpu.dot_dimension_numbers<[1], [0], [0], [1], [0, 0, 1, 1], [], []>, transpose_lhs_hint = false} : vector<155x256xf32>, vector<256x256xf32>, vector<155x256xf32> -> vector<155x256xf32>
    %get3A_56 = arith.constant 256 : index
    %get3A_57 = arith.constant 0 : index
    %get3A_58 = vector.load %arg5[%get3A_56, %get3A_57] : memref<513x256xf32, #tpu.memory_space<vmem>>, vector<1x256xf32>
    %get3A_59 = vector.shape_cast %get3A_58 : vector<1x256xf32> to vector<256xf32>
    %broadcast_in_dim3A_60 = vector.shape_cast %get3A_59 : vector<256xf32> to vector<1x256xf32>
    %mul3A_61 = vector.broadcast %broadcast_in_dim3A_39 : vector<155x1xf32> to vector<155x256xf32>
    %mul3A_62 = vector.broadcast %broadcast_in_dim3A_60 : vector<1x256xf32> to vector<155x256xf32>
    %mul3A_63 = arith.mulf %mul3A_61, %mul3A_62 : vector<155x256xf32>
    %add3A_64 = arith.addf %dot_general3A_55, %mul3A_63 : vector<155x256xf32>
    %get3A_65 = arith.constant 257 : index
    %get3A_66 = arith.constant 0 : index
    %get3A_67 = vector.load %arg5[%get3A_65, %get3A_66] : memref<513x256xf32, #tpu.memory_space<vmem>>, vector<256x256xf32>
    %dot_general3A_68 = arith.constant dense<0.000000e+00> : vector<155x256xf32>
    %dot_general3A_69 = tpu.matmul %dot_general3A_45, %get3A_67, %dot_general3A_68 {dimension_numbers = #tpu.dot_dimension_numbers<[1], [0], [0], [1], [0, 0, 1, 1], [], []>, transpose_lhs_hint = false} : vector<155x256xf32>, vector<256x256xf32>, vector<155x256xf32> -> vector<155x256xf32>
    %add3A_70 = arith.addf %add3A_64, %dot_general3A_69 : vector<155x256xf32>
    %get3A_71 = arith.constant 0 : index
    %get3A_72 = arith.constant 0 : index
    %get3A_73 = vector.load %arg6[%get3A_71, %get3A_72] : memref<1x256xf32, #tpu.memory_space<vmem>>, vector<1x256xf32>
    %get3A_74 = vector.shape_cast %get3A_73 : vector<1x256xf32> to vector<256xf32>
    %broadcast_in_dim3A_75 = vector.shape_cast %get3A_74 : vector<256xf32> to vector<1x256xf32>
    %add3A_76 = vector.broadcast %broadcast_in_dim3A_75 : vector<1x256xf32> to vector<155x256xf32>
    %add3A_77 = arith.addf %add3A_70, %add3A_76 : vector<155x256xf32>
    %get3A_78 = arith.constant 0 : index
    %get3A_79 = arith.constant 0 : index
    %get3A_80 = vector.load %arg7[%get3A_78, %get3A_79] : memref<1x256xf32, #tpu.memory_space<vmem>>, vector<1x256xf32>
    %concatenate3A = tpu.concatenate %add3A_77, %get3A_80 in 0 : vector<155x256xf32>, vector<1x256xf32> -> vector<156x256xf32>
    %swap3A_81 = arith.constant 0 : index
    %swap3A_82 = arith.constant 0 : index
    %swap3A_83 = arith.constant 0 : index
    %swap3A_84 = vector.load %arg9[%swap3A_81, %swap3A_82, %swap3A_83] : memref<4x156x256xf32, #tpu.memory_space<vmem>>, vector<1x156x256xf32>
    %swap3A_85 = vector.shape_cast %swap3A_84 : vector<1x156x256xf32> to vector<156x256xf32>
    %swap3A_86 = vector.shape_cast %concatenate3A : vector<156x256xf32> to vector<1x156x256xf32>
    tpu.vector_store %arg9[%swap3A_81, %swap3A_82, %swap3A_83], %swap3A_86 {strides = array<i32>} : memref<4x156x256xf32, #tpu.memory_space<vmem>>, vector<1x156x256xf32>,
    %get3A_87 = arith.constant 1 : index
    %get3A_88 = arith.constant 0 : index
    %get3A_89 = arith.constant 0 : index
    %get3A_90 = vector.load %arg1[%get3A_87, %get3A_88, %get3A_89] : memref<4x155x60xf32, #tpu.memory_space<vmem>>, vector<1x155x60xf32>
    %get3A_91 = vector.shape_cast %get3A_90 : vector<1x155x60xf32> to vector<155x60xf32>
    %get3A_92 = arith.constant 1 : index
    %get3A_93 = arith.constant 0 : index
    %get3A_94 = arith.constant 0 : index
    %get3A_95 = vector.load %arg2[%get3A_92, %get3A_93, %get3A_94] : memref<4x1x60xf32, #tpu.memory_space<vmem>>, vector<1x1x60xf32>
    %get3A_96 = vector.shape_cast %get3A_95 : vector<1x1x60xf32> to vector<60xf32>
    %broadcast_in_dim3A_97 = vector.shape_cast %get3A_96 : vector<60xf32> to vector<1x60xf32>
    %mul3A_98 = vector.broadcast %broadcast_in_dim3A_97 : vector<1x60xf32> to vector<155x60xf32>
    %mul3A_99 = arith.mulf %get3A_91, %mul3A_98 : vector<155x60xf32>
    %reduce_max3A_100 = arith.constant dense<0xFF800000> : vector<155xf32>
    %reduce_max3A_101 = vector.multi_reduction <maximumf>, %mul3A_99, %reduce_max3A_100 [1] : vector<155x60xf32> to vector<155xf32>
    %broadcast_in_dim3A_102 = vector.shape_cast %reduce_max3A_101 : vector<155xf32> to vector<155x1xf32>
    %max3A_103 = arith.constant 0.000000e+00 : f32
    %max3A_104 = vector.broadcast %max3A_103 : f32 to vector<155x1xf32>
    %max3A_105 = arith.maximumf %broadcast_in_dim3A_102, %max3A_104 : vector<155x1xf32>
    %sub3A_106 = vector.broadcast %max3A_105 : vector<155x1xf32> to vector<155x60xf32>
    %sub3A_107 = arith.subf %mul3A_99, %sub3A_106 : vector<155x60xf32>
    %exp3A_108 = math.exp %sub3A_107 : vector<155x60xf32>
    %reduce_sum3A_109 = arith.constant dense<0.000000e+00> : vector<155xf32>
    %reduce_sum3A_110 = vector.multi_reduction <add>, %exp3A_108, %reduce_sum3A_109 [1] : vector<155x60xf32> to vector<155xf32>
    %broadcast_in_dim3A_111 = vector.shape_cast %reduce_sum3A_110 : vector<155xf32> to vector<155x1xf32>
    %neg3A_112 = arith.constant 0.000000e+00 : f32
    %neg3A_113 = vector.broadcast %neg3A_112 : f32 to vector<155x1xf32>
    %neg3A_114 = arith.subf %neg3A_113, %max3A_105 : vector<155x1xf32>
    %exp3A_115 = math.exp %neg3A_114 : vector<155x1xf32>
    %add3A_116 = arith.addf %broadcast_in_dim3A_111, %exp3A_115 : vector<155x1xf32>
    %div3A_117 = vector.broadcast %add3A_116 : vector<155x1xf32> to vector<155x60xf32>
    %div3A_118 = arith.divf %exp3A_108, %div3A_117 : vector<155x60xf32>
    %broadcast_in_dim3A_119 = vector.shape_cast %get3A_96 : vector<60xf32> to vector<1x60xf32>
    %mul3A_120 = vector.broadcast %broadcast_in_dim3A_119 : vector<1x60xf32> to vector<155x60xf32>
    %mul3A_121 = arith.mulf %div3A_118, %mul3A_120 : vector<155x60xf32>
    %reduce_sum3A_122 = arith.constant dense<0.000000e+00> : vector<155xf32>
    %reduce_sum3A_123 = vector.multi_reduction <add>, %mul3A_121, %reduce_sum3A_122 [1] : vector<155x60xf32> to vector<155xf32>
    %broadcast_in_dim3A_124 = vector.shape_cast %reduce_sum3A_123 : vector<155xf32> to vector<155x1xf32>
    %add3A_125 = arith.constant 9.99999982E-14 : f32
    %add3A_126 = vector.broadcast %add3A_125 : f32 to vector<155x1xf32>
    %add3A_127 = arith.addf %broadcast_in_dim3A_124, %add3A_126 : vector<155x1xf32>
    %div3A_128 = vector.broadcast %add3A_127 : vector<155x1xf32> to vector<155x60xf32>
    %div3A_129 = arith.divf %mul3A_121, %div3A_128 : vector<155x60xf32>
    %swap3A_130 = arith.constant 1 : index
    %swap3A_131 = arith.constant 0 : index
    %swap3A_132 = arith.constant 0 : index
    %swap3A_133 = vector.load %arg8[%swap3A_130, %swap3A_131, %swap3A_132] : memref<4x155x60xf32, #tpu.memory_space<vmem>>, vector<1x155x60xf32>
    %swap3A_134 = vector.shape_cast %swap3A_133 : vector<1x155x60xf32> to vector<155x60xf32>
    %swap3A_135 = vector.shape_cast %div3A_129 : vector<155x60xf32> to vector<1x155x60xf32>
    tpu.vector_store %arg8[%swap3A_130, %swap3A_131, %swap3A_132], %swap3A_135 {strides = array<i32>} : memref<4x155x60xf32, #tpu.memory_space<vmem>>, vector<1x155x60xf32>,
    %reduce_max3A_136 = arith.constant dense<0xFF800000> : vector<155xf32>
    %reduce_max3A_137 = vector.multi_reduction <maximumf>, %div3A_129, %reduce_max3A_136 [1] : vector<155x60xf32> to vector<155xf32>
    %broadcast_in_dim3A_138 = vector.shape_cast %reduce_max3A_137 : vector<155xf32> to vector<155x1xf32>
    %get3A_139 = arith.constant 1 : index
    %get3A_140 = arith.constant 0 : index
    %get3A_141 = arith.constant 0 : index
    %get3A_142 = vector.load %arg4[%get3A_139, %get3A_140, %get3A_141] : memref<4x60x256xf32, #tpu.memory_space<vmem>>, vector<1x60x256xf32>
    %get3A_143 = vector.shape_cast %get3A_142 : vector<1x60x256xf32> to vector<60x256xf32>
    %dot_general3A_144 = arith.constant dense<0.000000e+00> : vector<155x256xf32>
    %dot_general3A_145 = tpu.matmul %div3A_129, %get3A_143, %dot_general3A_144 {dimension_numbers = #tpu.dot_dimension_numbers<[1], [0], [0], [1], [0, 0, 1, 1], [], []>, transpose_lhs_hint = false} : vector<155x60xf32>, vector<60x256xf32>, vector<155x256xf32> -> vector<155x256xf32>
    %get3A_146 = arith.constant 1 : index
    %get3A_147 = arith.constant 0 : index
    %get3A_148 = arith.constant 0 : index
    %get3A_149 = vector.load %arg3[%get3A_146, %get3A_147, %get3A_148] : memref<4x155x256xf32, #tpu.memory_space<vmem>>, vector<1x155x256xf32>
    %get3A_150 = vector.shape_cast %get3A_149 : vector<1x155x256xf32> to vector<155x256xf32>
    %get3A_151 = arith.constant 0 : index
    %get3A_152 = arith.constant 0 : index
    %get3A_153 = vector.load %arg5[%get3A_151, %get3A_152] : memref<513x256xf32, #tpu.memory_space<vmem>>, vector<256x256xf32>
    %dot_general3A_154 = arith.constant dense<0.000000e+00> : vector<155x256xf32>
    %dot_general3A_155 = tpu.matmul %get3A_150, %get3A_153, %dot_general3A_154 {dimension_numbers = #tpu.dot_dimension_numbers<[1], [0], [0], [1], [0, 0, 1, 1], [], []>, transpose_lhs_hint = false} : vector<155x256xf32>, vector<256x256xf32>, vector<155x256xf32> -> vector<155x256xf32>
    %get3A_156 = arith.constant 256 : index
    %get3A_157 = arith.constant 0 : index
    %get3A_158 = vector.load %arg5[%get3A_156, %get3A_157] : memref<513x256xf32, #tpu.memory_space<vmem>>, vector<1x256xf32>
    %get3A_159 = vector.shape_cast %get3A_158 : vector<1x256xf32> to vector<256xf32>
    %broadcast_in_dim3A_160 = vector.shape_cast %get3A_159 : vector<256xf32> to vector<1x256xf32>
    %mul3A_161 = vector.broadcast %broadcast_in_dim3A_138 : vector<155x1xf32> to vector<155x256xf32>
    %mul3A_162 = vector.broadcast %broadcast_in_dim3A_160 : vector<1x256xf32> to vector<155x256xf32>
    %mul3A_163 = arith.mulf %mul3A_161, %mul3A_162 : vector<155x256xf32>
    %add3A_164 = arith.addf %dot_general3A_155, %mul3A_163 : vector<155x256xf32>
    %get3A_165 = arith.constant 257 : index
    %get3A_166 = arith.constant 0 : index
    %get3A_167 = vector.load %arg5[%get3A_165, %get3A_166] : memref<513x256xf32, #tpu.memory_space<vmem>>, vector<256x256xf32>
    %dot_general3A_168 = arith.constant dense<0.000000e+00> : vector<155x256xf32>
    %dot_general3A_169 = tpu.matmul %dot_general3A_145, %get3A_167, %dot_general3A_168 {dimension_numbers = #tpu.dot_dimension_numbers<[1], [0], [0], [1], [0, 0, 1, 1], [], []>, transpose_lhs_hint = false} : vector<155x256xf32>, vector<256x256xf32>, vector<155x256xf32> -> vector<155x256xf32>
    %add3A_170 = arith.addf %add3A_164, %dot_general3A_169 : vector<155x256xf32>
    %get3A_171 = arith.constant 0 : index
    %get3A_172 = arith.constant 0 : index
    %get3A_173 = vector.load %arg6[%get3A_171, %get3A_172] : memref<1x256xf32, #tpu.memory_space<vmem>>, vector<1x256xf32>
    %get3A_174 = vector.shape_cast %get3A_173 : vector<1x256xf32> to vector<256xf32>
    %broadcast_in_dim3A_175 = vector.shape_cast %get3A_174 : vector<256xf32> to vector<1x256xf32>
    %add3A_176 = vector.broadcast %broadcast_in_dim3A_175 : vector<1x256xf32> to vector<155x256xf32>
    %add3A_177 = arith.addf %add3A_170, %add3A_176 : vector<155x256xf32>
    %get3A_178 = arith.constant 0 : index
    %get3A_179 = arith.constant 0 : index
    %get3A_180 = vector.load %arg7[%get3A_178, %get3A_179] : memref<1x256xf32, #tpu.memory_space<vmem>>, vector<1x256xf32>
    %concatenate3A_181 = tpu.concatenate %add3A_177, %get3A_180 in 0 : vector<155x256xf32>, vector<1x256xf32> -> vector<156x256xf32>
    %swap3A_182 = arith.constant 1 : index
    %swap3A_183 = arith.constant 0 : index
    %swap3A_184 = arith.constant 0 : index
    %swap3A_185 = vector.load %arg9[%swap3A_182, %swap3A_183, %swap3A_184] : memref<4x156x256xf32, #tpu.memory_space<vmem>>, vector<1x156x256xf32>
    %swap3A_186 = vector.shape_cast %swap3A_185 : vector<1x156x256xf32> to vector<156x256xf32>
    %swap3A_187 = vector.shape_cast %concatenate3A_181 : vector<156x256xf32> to vector<1x156x256xf32>
    tpu.vector_store %arg9[%swap3A_182, %swap3A_183, %swap3A_184], %swap3A_187 {strides = array<i32>} : memref<4x156x256xf32, #tpu.memory_space<vmem>>, vector<1x156x256xf32>,
    %get3A_188 = arith.constant 2 : index
    %get3A_189 = arith.constant 0 : index
    %get3A_190 = arith.constant 0 : index
    %get3A_191 = vector.load %arg1[%get3A_188, %get3A_189, %get3A_190] : memref<4x155x60xf32, #tpu.memory_space<vmem>>, vector<1x155x60xf32>
    %get3A_192 = vector.shape_cast %get3A_191 : vector<1x155x60xf32> to vector<155x60xf32>
    %get3A_193 = arith.constant 2 : index
    %get3A_194 = arith.constant 0 : index
    %get3A_195 = arith.constant 0 : index
    %get3A_196 = vector.load %arg2[%get3A_193, %get3A_194, %get3A_195] : memref<4x1x60xf32, #tpu.memory_space<vmem>>, vector<1x1x60xf32>
    %get3A_197 = vector.shape_cast %get3A_196 : vector<1x1x60xf32> to vector<60xf32>
    %broadcast_in_dim3A_198 = vector.shape_cast %get3A_197 : vector<60xf32> to vector<1x60xf32>
    %mul3A_199 = vector.broadcast %broadcast_in_dim3A_198 : vector<1x60xf32> to vector<155x60xf32>
    %mul3A_200 = arith.mulf %get3A_192, %mul3A_199 : vector<155x60xf32>
    %reduce_max3A_201 = arith.constant dense<0xFF800000> : vector<155xf32>
    %reduce_max3A_202 = vector.multi_reduction <maximumf>, %mul3A_200, %reduce_max3A_201 [1] : vector<155x60xf32> to vector<155xf32>
    %broadcast_in_dim3A_203 = vector.shape_cast %reduce_max3A_202 : vector<155xf32> to vector<155x1xf32>
    %max3A_204 = arith.constant 0.000000e+00 : f32
    %max3A_205 = vector.broadcast %max3A_204 : f32 to vector<155x1xf32>
    %max3A_206 = arith.maximumf %broadcast_in_dim3A_203, %max3A_205 : vector<155x1xf32>
    %sub3A_207 = vector.broadcast %max3A_206 : vector<155x1xf32> to vector<155x60xf32>
    %sub3A_208 = arith.subf %mul3A_200, %sub3A_207 : vector<155x60xf32>
    %exp3A_209 = math.exp %sub3A_208 : vector<155x60xf32>
    %reduce_sum3A_210 = arith.constant dense<0.000000e+00> : vector<155xf32>
    %reduce_sum3A_211 = vector.multi_reduction <add>, %exp3A_209, %reduce_sum3A_210 [1] : vector<155x60xf32> to vector<155xf32>
    %broadcast_in_dim3A_212 = vector.shape_cast %reduce_sum3A_211 : vector<155xf32> to vector<155x1xf32>
    %neg3A_213 = arith.constant 0.000000e+00 : f32
    %neg3A_214 = vector.broadcast %neg3A_213 : f32 to vector<155x1xf32>
    %neg3A_215 = arith.subf %neg3A_214, %max3A_206 : vector<155x1xf32>
    %exp3A_216 = math.exp %neg3A_215 : vector<155x1xf32>
    %add3A_217 = arith.addf %broadcast_in_dim3A_212, %exp3A_216 : vector<155x1xf32>
    %div3A_218 = vector.broadcast %add3A_217 : vector<155x1xf32> to vector<155x60xf32>
    %div3A_219 = arith.divf %exp3A_209, %div3A_218 : vector<155x60xf32>
    %broadcast_in_dim3A_220 = vector.shape_cast %get3A_197 : vector<60xf32> to vector<1x60xf32>
    %mul3A_221 = vector.broadcast %broadcast_in_dim3A_220 : vector<1x60xf32> to vector<155x60xf32>
    %mul3A_222 = arith.mulf %div3A_219, %mul3A_221 : vector<155x60xf32>
    %reduce_sum3A_223 = arith.constant dense<0.000000e+00> : vector<155xf32>
    %reduce_sum3A_224 = vector.multi_reduction <add>, %mul3A_222, %reduce_sum3A_223 [1] : vector<155x60xf32> to vector<155xf32>
    %broadcast_in_dim3A_225 = vector.shape_cast %reduce_sum3A_224 : vector<155xf32> to vector<155x1xf32>
    %add3A_226 = arith.constant 9.99999982E-14 : f32
    %add3A_227 = vector.broadcast %add3A_226 : f32 to vector<155x1xf32>
    %add3A_228 = arith.addf %broadcast_in_dim3A_225, %add3A_227 : vector<155x1xf32>
    %div3A_229 = vector.broadcast %add3A_228 : vector<155x1xf32> to vector<155x60xf32>
    %div3A_230 = arith.divf %mul3A_222, %div3A_229 : vector<155x60xf32>
    %swap3A_231 = arith.constant 2 : index
    %swap3A_232 = arith.constant 0 : index
    %swap3A_233 = arith.constant 0 : index
    %swap3A_234 = vector.load %arg8[%swap3A_231, %swap3A_232, %swap3A_233] : memref<4x155x60xf32, #tpu.memory_space<vmem>>, vector<1x155x60xf32>
    %swap3A_235 = vector.shape_cast %swap3A_234 : vector<1x155x60xf32> to vector<155x60xf32>
    %swap3A_236 = vector.shape_cast %div3A_230 : vector<155x60xf32> to vector<1x155x60xf32>
    tpu.vector_store %arg8[%swap3A_231, %swap3A_232, %swap3A_233], %swap3A_236 {strides = array<i32>} : memref<4x155x60xf32, #tpu.memory_space<vmem>>, vector<1x155x60xf32>,
    %reduce_max3A_237 = arith.constant dense<0xFF800000> : vector<155xf32>
    %reduce_max3A_238 = vector.multi_reduction <maximumf>, %div3A_230, %reduce_max3A_237 [1] : vector<155x60xf32> to vector<155xf32>
    %broadcast_in_dim3A_239 = vector.shape_cast %reduce_max3A_238 : vector<155xf32> to vector<155x1xf32>
    %get3A_240 = arith.constant 2 : index
    %get3A_241 = arith.constant 0 : index
    %get3A_242 = arith.constant 0 : index
    %get3A_243 = vector.load %arg4[%get3A_240, %get3A_241, %get3A_242] : memref<4x60x256xf32, #tpu.memory_space<vmem>>, vector<1x60x256xf32>
    %get3A_244 = vector.shape_cast %get3A_243 : vector<1x60x256xf32> to vector<60x256xf32>
    %dot_general3A_245 = arith.constant dense<0.000000e+00> : vector<155x256xf32>
    %dot_general3A_246 = tpu.matmul %div3A_230, %get3A_244, %dot_general3A_245 {dimension_numbers = #tpu.dot_dimension_numbers<[1], [0], [0], [1], [0, 0, 1, 1], [], []>, transpose_lhs_hint = false} : vector<155x60xf32>, vector<60x256xf32>, vector<155x256xf32> -> vector<155x256xf32>
    %get3A_247 = arith.constant 2 : index
    %get3A_248 = arith.constant 0 : index
    %get3A_249 = arith.constant 0 : index
    %get3A_250 = vector.load %arg3[%get3A_247, %get3A_248, %get3A_249] : memref<4x155x256xf32, #tpu.memory_space<vmem>>, vector<1x155x256xf32>
    %get3A_251 = vector.shape_cast %get3A_250 : vector<1x155x256xf32> to vector<155x256xf32>
    %get3A_252 = arith.constant 0 : index
    %get3A_253 = arith.constant 0 : index
    %get3A_254 = vector.load %arg5[%get3A_252, %get3A_253] : memref<513x256xf32, #tpu.memory_space<vmem>>, vector<256x256xf32>
    %dot_general3A_255 = arith.constant dense<0.000000e+00> : vector<155x256xf32>
    %dot_general3A_256 = tpu.matmul %get3A_251, %get3A_254, %dot_general3A_255 {dimension_numbers = #tpu.dot_dimension_numbers<[1], [0], [0], [1], [0, 0, 1, 1], [], []>, transpose_lhs_hint = false} : vector<155x256xf32>, vector<256x256xf32>, vector<155x256xf32> -> vector<155x256xf32>
    %get3A_257 = arith.constant 256 : index
    %get3A_258 = arith.constant 0 : index
    %get3A_259 = vector.load %arg5[%get3A_257, %get3A_258] : memref<513x256xf32, #tpu.memory_space<vmem>>, vector<1x256xf32>
    %get3A_260 = vector.shape_cast %get3A_259 : vector<1x256xf32> to vector<256xf32>
    %broadcast_in_dim3A_261 = vector.shape_cast %get3A_260 : vector<256xf32> to vector<1x256xf32>
    %mul3A_262 = vector.broadcast %broadcast_in_dim3A_239 : vector<155x1xf32> to vector<155x256xf32>
    %mul3A_263 = vector.broadcast %broadcast_in_dim3A_261 : vector<1x256xf32> to vector<155x256xf32>
    %mul3A_264 = arith.mulf %mul3A_262, %mul3A_263 : vector<155x256xf32>
    %add3A_265 = arith.addf %dot_general3A_256, %mul3A_264 : vector<155x256xf32>
    %get3A_266 = arith.constant 257 : index
    %get3A_267 = arith.constant 0 : index
    %get3A_268 = vector.load %arg5[%get3A_266, %get3A_267] : memref<513x256xf32, #tpu.memory_space<vmem>>, vector<256x256xf32>
    %dot_general3A_269 = arith.constant dense<0.000000e+00> : vector<155x256xf32>
    %dot_general3A_270 = tpu.matmul %dot_general3A_246, %get3A_268, %dot_general3A_269 {dimension_numbers = #tpu.dot_dimension_numbers<[1], [0], [0], [1], [0, 0, 1, 1], [], []>, transpose_lhs_hint = false} : vector<155x256xf32>, vector<256x256xf32>, vector<155x256xf32> -> vector<155x256xf32>
    %add3A_271 = arith.addf %add3A_265, %dot_general3A_270 : vector<155x256xf32>
    %get3A_272 = arith.constant 0 : index
    %get3A_273 = arith.constant 0 : index
    %get3A_274 = vector.load %arg6[%get3A_272, %get3A_273] : memref<1x256xf32, #tpu.memory_space<vmem>>, vector<1x256xf32>
    %get3A_275 = vector.shape_cast %get3A_274 : vector<1x256xf32> to vector<256xf32>
    %broadcast_in_dim3A_276 = vector.shape_cast %get3A_275 : vector<256xf32> to vector<1x256xf32>
    %add3A_277 = vector.broadcast %broadcast_in_dim3A_276 : vector<1x256xf32> to vector<155x256xf32>
    %add3A_278 = arith.addf %add3A_271, %add3A_277 : vector<155x256xf32>
    %get3A_279 = arith.constant 0 : index
    %get3A_280 = arith.constant 0 : index
    %get3A_281 = vector.load %arg7[%get3A_279, %get3A_280] : memref<1x256xf32, #tpu.memory_space<vmem>>, vector<1x256xf32>
    %concatenate3A_282 = tpu.concatenate %add3A_278, %get3A_281 in 0 : vector<155x256xf32>, vector<1x256xf32> -> vector<156x256xf32>
    %swap3A_283 = arith.constant 2 : index
    %swap3A_284 = arith.constant 0 : index
    %swap3A_285 = arith.constant 0 : index
    %swap3A_286 = vector.load %arg9[%swap3A_283, %swap3A_284, %swap3A_285] : memref<4x156x256xf32, #tpu.memory_space<vmem>>, vector<1x156x256xf32>
    %swap3A_287 = vector.shape_cast %swap3A_286 : vector<1x156x256xf32> to vector<156x256xf32>
    %swap3A_288 = vector.shape_cast %concatenate3A_282 : vector<156x256xf32> to vector<1x156x256xf32>
    tpu.vector_store %arg9[%swap3A_283, %swap3A_284, %swap3A_285], %swap3A_288 {strides = array<i32>} : memref<4x156x256xf32, #tpu.memory_space<vmem>>, vector<1x156x256xf32>,
    %get3A_289 = arith.constant 3 : index
    %get3A_290 = arith.constant 0 : index
    %get3A_291 = arith.constant 0 : index
    %get3A_292 = vector.load %arg1[%get3A_289, %get3A_290, %get3A_291] : memref<4x155x60xf32, #tpu.memory_space<vmem>>, vector<1x155x60xf32>
    %get3A_293 = vector.shape_cast %get3A_292 : vector<1x155x60xf32> to vector<155x60xf32>
    %get3A_294 = arith.constant 3 : index
    %get3A_295 = arith.constant 0 : index
    %get3A_296 = arith.constant 0 : index
    %get3A_297 = vector.load %arg2[%get3A_294, %get3A_295, %get3A_296] : memref<4x1x60xf32, #tpu.memory_space<vmem>>, vector<1x1x60xf32>
    %get3A_298 = vector.shape_cast %get3A_297 : vector<1x1x60xf32> to vector<60xf32>
    %broadcast_in_dim3A_299 = vector.shape_cast %get3A_298 : vector<60xf32> to vector<1x60xf32>
    %mul3A_300 = vector.broadcast %broadcast_in_dim3A_299 : vector<1x60xf32> to vector<155x60xf32>
    %mul3A_301 = arith.mulf %get3A_293, %mul3A_300 : vector<155x60xf32>
    %reduce_max3A_302 = arith.constant dense<0xFF800000> : vector<155xf32>
    %reduce_max3A_303 = vector.multi_reduction <maximumf>, %mul3A_301, %reduce_max3A_302 [1] : vector<155x60xf32> to vector<155xf32>
    %broadcast_in_dim3A_304 = vector.shape_cast %reduce_max3A_303 : vector<155xf32> to vector<155x1xf32>
    %max3A_305 = arith.constant 0.000000e+00 : f32
    %max3A_306 = vector.broadcast %max3A_305 : f32 to vector<155x1xf32>
    %max3A_307 = arith.maximumf %broadcast_in_dim3A_304, %max3A_306 : vector<155x1xf32>
    %sub3A_308 = vector.broadcast %max3A_307 : vector<155x1xf32> to vector<155x60xf32>
    %sub3A_309 = arith.subf %mul3A_301, %sub3A_308 : vector<155x60xf32>
    %exp3A_310 = math.exp %sub3A_309 : vector<155x60xf32>
    %reduce_sum3A_311 = arith.constant dense<0.000000e+00> : vector<155xf32>
    %reduce_sum3A_312 = vector.multi_reduction <add>, %exp3A_310, %reduce_sum3A_311 [1] : vector<155x60xf32> to vector<155xf32>
    %broadcast_in_dim3A_313 = vector.shape_cast %reduce_sum3A_312 : vector<155xf32> to vector<155x1xf32>
    %neg3A_314 = arith.constant 0.000000e+00 : f32
    %neg3A_315 = vector.broadcast %neg3A_314 : f32 to vector<155x1xf32>
    %neg3A_316 = arith.subf %neg3A_315, %max3A_307 : vector<155x1xf32>
    %exp3A_317 = math.exp %neg3A_316 : vector<155x1xf32>
    %add3A_318 = arith.addf %broadcast_in_dim3A_313, %exp3A_317 : vector<155x1xf32>
    %div3A_319 = vector.broadcast %add3A_318 : vector<155x1xf32> to vector<155x60xf32>
    %div3A_320 = arith.divf %exp3A_310, %div3A_319 : vector<155x60xf32>
    %broadcast_in_dim3A_321 = vector.shape_cast %get3A_298 : vector<60xf32> to vector<1x60xf32>
    %mul3A_322 = vector.broadcast %broadcast_in_dim3A_321 : vector<1x60xf32> to vector<155x60xf32>
    %mul3A_323 = arith.mulf %div3A_320, %mul3A_322 : vector<155x60xf32>
    %reduce_sum3A_324 = arith.constant dense<0.000000e+00> : vector<155xf32>
    %reduce_sum3A_325 = vector.multi_reduction <add>, %mul3A_323, %reduce_sum3A_324 [1] : vector<155x60xf32> to vector<155xf32>
    %broadcast_in_dim3A_326 = vector.shape_cast %reduce_sum3A_325 : vector<155xf32> to vector<155x1xf32>
    %add3A_327 = arith.constant 9.99999982E-14 : f32
    %add3A_328 = vector.broadcast %add3A_327 : f32 to vector<155x1xf32>
    %add3A_329 = arith.addf %broadcast_in_dim3A_326, %add3A_328 : vector<155x1xf32>
    %div3A_330 = vector.broadcast %add3A_329 : vector<155x1xf32> to vector<155x60xf32>
    %div3A_331 = arith.divf %mul3A_323, %div3A_330 : vector<155x60xf32>
    %swap3A_332 = arith.constant 3 : index
    %swap3A_333 = arith.constant 0 : index
    %swap3A_334 = arith.constant 0 : index
    %swap3A_335 = vector.load %arg8[%swap3A_332, %swap3A_333, %swap3A_334] : memref<4x155x60xf32, #tpu.memory_space<vmem>>, vector<1x155x60xf32>
    %swap3A_336 = vector.shape_cast %swap3A_335 : vector<1x155x60xf32> to vector<155x60xf32>
    %swap3A_337 = vector.shape_cast %div3A_331 : vector<155x60xf32> to vector<1x155x60xf32>
    tpu.vector_store %arg8[%swap3A_332, %swap3A_333, %swap3A_334], %swap3A_337 {strides = array<i32>} : memref<4x155x60xf32, #tpu.memory_space<vmem>>, vector<1x155x60xf32>,
    %reduce_max3A_338 = arith.constant dense<0xFF800000> : vector<155xf32>
    %reduce_max3A_339 = vector.multi_reduction <maximumf>, %div3A_331, %reduce_max3A_338 [1] : vector<155x60xf32> to vector<155xf32>
    %broadcast_in_dim3A_340 = vector.shape_cast %reduce_max3A_339 : vector<155xf32> to vector<155x1xf32>
    %get3A_341 = arith.constant 3 : index
    %get3A_342 = arith.constant 0 : index
    %get3A_343 = arith.constant 0 : index
    %get3A_344 = vector.load %arg4[%get3A_341, %get3A_342, %get3A_343] : memref<4x60x256xf32, #tpu.memory_space<vmem>>, vector<1x60x256xf32>
    %get3A_345 = vector.shape_cast %get3A_344 : vector<1x60x256xf32> to vector<60x256xf32>
    %dot_general3A_346 = arith.constant dense<0.000000e+00> : vector<155x256xf32>
    %dot_general3A_347 = tpu.matmul %div3A_331, %get3A_345, %dot_general3A_346 {dimension_numbers = #tpu.dot_dimension_numbers<[1], [0], [0], [1], [0, 0, 1, 1], [], []>, transpose_lhs_hint = false} : vector<155x60xf32>, vector<60x256xf32>, vector<155x256xf32> -> vector<155x256xf32>
    %get3A_348 = arith.constant 3 : index
    %get3A_349 = arith.constant 0 : index
    %get3A_350 = arith.constant 0 : index
    %get3A_351 = vector.load %arg3[%get3A_348, %get3A_349, %get3A_350] : memref<4x155x256xf32, #tpu.memory_space<vmem>>, vector<1x155x256xf32>
    %get3A_352 = vector.shape_cast %get3A_351 : vector<1x155x256xf32> to vector<155x256xf32>
    %get3A_353 = arith.constant 0 : index
    %get3A_354 = arith.constant 0 : index
    %get3A_355 = vector.load %arg5[%get3A_353, %get3A_354] : memref<513x256xf32, #tpu.memory_space<vmem>>, vector<256x256xf32>
    %dot_general3A_356 = arith.constant dense<0.000000e+00> : vector<155x256xf32>
    %dot_general3A_357 = tpu.matmul %get3A_352, %get3A_355, %dot_general3A_356 {dimension_numbers = #tpu.dot_dimension_numbers<[1], [0], [0], [1], [0, 0, 1, 1], [], []>, transpose_lhs_hint = false} : vector<155x256xf32>, vector<256x256xf32>, vector<155x256xf32> -> vector<155x256xf32>
    %get3A_358 = arith.constant 256 : index
    %get3A_359 = arith.constant 0 : index
    %get3A_360 = vector.load %arg5[%get3A_358, %get3A_359] : memref<513x256xf32, #tpu.memory_space<vmem>>, vector<1x256xf32>
    %get3A_361 = vector.shape_cast %get3A_360 : vector<1x256xf32> to vector<256xf32>
    %broadcast_in_dim3A_362 = vector.shape_cast %get3A_361 : vector<256xf32> to vector<1x256xf32>
    %mul3A_363 = vector.broadcast %broadcast_in_dim3A_340 : vector<155x1xf32> to vector<155x256xf32>
    %mul3A_364 = vector.broadcast %broadcast_in_dim3A_362 : vector<1x256xf32> to vector<155x256xf32>
    %mul3A_365 = arith.mulf %mul3A_363, %mul3A_364 : vector<155x256xf32>
    %add3A_366 = arith.addf %dot_general3A_357, %mul3A_365 : vector<155x256xf32>
    %get3A_367 = arith.constant 257 : index
    %get3A_368 = arith.constant 0 : index
    %get3A_369 = vector.load %arg5[%get3A_367, %get3A_368] : memref<513x256xf32, #tpu.memory_space<vmem>>, vector<256x256xf32>
    %dot_general3A_370 = arith.constant dense<0.000000e+00> : vector<155x256xf32>
    %dot_general3A_371 = tpu.matmul %dot_general3A_347, %get3A_369, %dot_general3A_370 {dimension_numbers = #tpu.dot_dimension_numbers<[1], [0], [0], [1], [0, 0, 1, 1], [], []>, transpose_lhs_hint = false} : vector<155x256xf32>, vector<256x256xf32>, vector<155x256xf32> -> vector<155x256xf32>
    %add3A_372 = arith.addf %add3A_366, %dot_general3A_371 : vector<155x256xf32>
    %get3A_373 = arith.constant 0 : index
    %get3A_374 = arith.constant 0 : index
    %get3A_375 = vector.load %arg6[%get3A_373, %get3A_374] : memref<1x256xf32, #tpu.memory_space<vmem>>, vector<1x256xf32>
    %get3A_376 = vector.shape_cast %get3A_375 : vector<1x256xf32> to vector<256xf32>
    %broadcast_in_dim3A_377 = vector.shape_cast %get3A_376 : vector<256xf32> to vector<1x256xf32>
    %add3A_378 = vector.broadcast %broadcast_in_dim3A_377 : vector<1x256xf32> to vector<155x256xf32>
    %add3A_379 = arith.addf %add3A_372, %add3A_378 : vector<155x256xf32>
    %get3A_380 = arith.constant 0 : index
    %get3A_381 = arith.constant 0 : index
    %get3A_382 = vector.load %arg7[%get3A_380, %get3A_381] : memref<1x256xf32, #tpu.memory_space<vmem>>, vector<1x256xf32>
    %concatenate3A_383 = tpu.concatenate %add3A_379, %get3A_382 in 0 : vector<155x256xf32>, vector<1x256xf32> -> vector<156x256xf32>
    %swap3A_384 = arith.constant 3 : index
    %swap3A_385 = arith.constant 0 : index
    %swap3A_386 = arith.constant 0 : index
    %swap3A_387 = vector.load %arg9[%swap3A_384, %swap3A_385, %swap3A_386] : memref<4x156x256xf32, #tpu.memory_space<vmem>>, vector<1x156x256xf32>
    %swap3A_388 = vector.shape_cast %swap3A_387 : vector<1x156x256xf32> to vector<156x256xf32>
    %swap3A_389 = vector.shape_cast %concatenate3A_383 : vector<156x256xf32> to vector<1x156x256xf32>
    tpu.vector_store %arg9[%swap3A_384, %swap3A_385, %swap3A_386], %swap3A_389 {strides = array<i32>} : memref<4x156x256xf32, #tpu.memory_space<vmem>>, vector<1x156x256xf32>,
    return
  }
  func.func @transform_0(%arg0: i32) -> (i32, i32, i32) {
    %c0_i32 = arith.constant 0 : i32
    %c0_i32_0 = arith.constant 0 : i32
    %c0_i32_1 = arith.constant 0 : i32
    return %arg0, %c0_i32, %c0_i32_0 : i32, i32, i32
  }
  func.func @transform_1(%arg0: i32) -> (i32, i32, i32) {
    %c0_i32 = arith.constant 0 : i32
    %c0_i32_0 = arith.constant 0 : i32
    %c0_i32_1 = arith.constant 0 : i32
    return %arg0, %c0_i32, %c0_i32_0 : i32, i32, i32
  }
  func.func @transform_2(%arg0: i32) -> (i32, i32, i32) {
    %c0_i32 = arith.constant 0 : i32
    %c0_i32_0 = arith.constant 0 : i32
    %c0_i32_1 = arith.constant 0 : i32
    return %arg0, %c0_i32, %c0_i32_0 : i32, i32, i32
  }
  func.func @transform_3(%arg0: i32) -> (i32, i32, i32) {
    %c0_i32 = arith.constant 0 : i32
    %c0_i32_0 = arith.constant 0 : i32
    %c0_i32_1 = arith.constant 0 : i32
    return %arg0, %c0_i32, %c0_i32_0 : i32, i32, i32
  }
  func.func @transform_4(%arg0: i32) -> (i32, i32) {
    %c0_i32 = arith.constant 0 : i32
    %c0_i32_0 = arith.constant 0 : i32
    %c0_i32_1 = arith.constant 0 : i32
    return %c0_i32, %c0_i32_0 : i32, i32
  }
  func.func @transform_5(%arg0: i32) -> (i32, i32) {
    %c0_i32 = arith.constant 0 : i32
    %c0_i32_0 = arith.constant 0 : i32
    %c0_i32_1 = arith.constant 0 : i32
    return %c0_i32, %c0_i32_0 : i32, i32
  }
  func.func @transform_6(%arg0: i32) -> (i32, i32) {
    %c0_i32 = arith.constant 0 : i32
    %c0_i32_0 = arith.constant 0 : i32
    %c0_i32_1 = arith.constant 0 : i32
    return %c0_i32, %c0_i32_0 : i32, i32
  }
  func.func @transform_7(%arg0: i32) -> (i32, i32, i32) {
    %c0_i32 = arith.constant 0 : i32
    %c0_i32_0 = arith.constant 0 : i32
    %c0_i32_1 = arith.constant 0 : i32
    return %arg0, %c0_i32, %c0_i32_0 : i32, i32, i32
  }
  func.func @transform_8(%arg0: i32) -> (i32, i32, i32) {
    %c0_i32 = arith.constant 0 : i32
    %c0_i32_0 = arith.constant 0 : i32
    %c0_i32_1 = arith.constant 0 : i32
    return %arg0, %c0_i32, %c0_i32_0 : i32, i32, i32
  }
}

module attributes {stable_mosaic.version = 14 : i64} {
  func.func @_hproj_body(%arg0: i32, %arg1: i32, %arg2: memref<2496x256xf32, #tpu.memory_space<vmem>>, %arg3: memref<1x256x128xf32, #tpu.memory_space<vmem>>, %arg4: memref<2496x128xf32, #tpu.memory_space<vmem>>) attributes {dimension_semantics = [#tpu.dimension_semantics<arbitrary>, #tpu.dimension_semantics<arbitrary>], iteration_bounds = array<i64: 4, 8>, scalar_prefetch = 0 : i64, scratch_operands = 0 : i64, tpu.core_type = #tpu.core_type<tc>, window_params = [{transform_indices = @transform_0, window_bounds = array<i64: 2496, 256>}, {transform_indices = @transform_1, window_bounds = array<i64: 1, 256, 128>}, {transform_indices = @transform_2, window_bounds = array<i64: 2496, 128>}]} {
    %get3A = arith.constant 0 : index
    %get3A_0 = arith.constant 0 : index
    %get3A_1 = vector.load %arg2[%get3A, %get3A_0] : memref<2496x256xf32, #tpu.memory_space<vmem>>, vector<2496x256xf32>
    %get3A_2 = arith.constant 0 : index
    %get3A_3 = arith.constant 0 : index
    %get3A_4 = arith.constant 0 : index
    %get3A_5 = vector.load %arg3[%get3A_2, %get3A_3, %get3A_4] : memref<1x256x128xf32, #tpu.memory_space<vmem>>, vector<1x256x128xf32>
    %get3A_6 = vector.shape_cast %get3A_5 : vector<1x256x128xf32> to vector<256x128xf32>
    %dot_general3A = arith.constant dense<0.000000e+00> : vector<2496x128xf32>
    %dot_general3A_7 = tpu.matmul %get3A_1, %get3A_6, %dot_general3A {dimension_numbers = #tpu.dot_dimension_numbers<[1], [0], [0], [1], [0, 0, 1, 1], [], []>, transpose_lhs_hint = false} : vector<2496x256xf32>, vector<256x128xf32>, vector<2496x128xf32> -> vector<2496x128xf32>
    %swap3A = arith.constant 0 : index
    %swap3A_8 = arith.constant 0 : index
    %swap3A_9 = vector.load %arg4[%swap3A, %swap3A_8] : memref<2496x128xf32, #tpu.memory_space<vmem>>, vector<2496x128xf32>
    tpu.vector_store %arg4[%swap3A, %swap3A_8], %dot_general3A_7 {strides = array<i32>} : memref<2496x128xf32, #tpu.memory_space<vmem>>, vector<2496x128xf32>,
    return
  }
  func.func @transform_0(%arg0: i32, %arg1: i32) -> (i32, i32) {
    %c0_i32 = arith.constant 0 : i32
    %c0_i32_0 = arith.constant 0 : i32
    return %arg0, %c0_i32 : i32, i32
  }
  func.func @transform_1(%arg0: i32, %arg1: i32) -> (i32, i32, i32) {
    %c0_i32 = arith.constant 0 : i32
    %c0_i32_0 = arith.constant 0 : i32
    %c0_i32_1 = arith.constant 0 : i32
    return %arg1, %c0_i32, %c0_i32_0 : i32, i32, i32
  }
  func.func @transform_2(%arg0: i32, %arg1: i32) -> (i32, i32) {
    %mul3A = arith.constant 4 : i32
    %mul3A_0 = arith.muli %arg1, %mul3A : i32
    %add3A = arith.addi %mul3A_0, %arg0 : i32
    %c0_i32 = arith.constant 0 : i32
    %c0_i32_1 = arith.constant 0 : i32
    return %add3A, %c0_i32 : i32, i32
  }
}

module attributes {stable_mosaic.version = 14 : i64} {
  func.func @_gru_h_body(%arg0: i32, %arg1: memref<1248x128xf32, #tpu.memory_space<vmem>>, %arg2: memref<1248x128xf32, #tpu.memory_space<vmem>>, %arg3: memref<1248x256xf32, #tpu.memory_space<vmem>>, %arg4: memref<256x768xf32, #tpu.memory_space<vmem>>, %arg5: memref<256x768xf32, #tpu.memory_space<vmem>>, %arg6: memref<1x768xf32, #tpu.memory_space<vmem>>, %arg7: memref<1x768xf32, #tpu.memory_space<vmem>>, %arg8: memref<1x256xf32, #tpu.memory_space<vmem>>, %arg9: memref<1x1xf32, #tpu.memory_space<vmem>>, %arg10: memref<8x256x128xf32, #tpu.memory_space<vmem>>, %arg11: memref<1248x256xf32, #tpu.memory_space<vmem>>, %arg12: memref<1248x128xf32, #tpu.memory_space<vmem>>, %arg13: memref<1248x128xf32, #tpu.memory_space<vmem>>, %arg14: memref<8x1248x128xf32, #tpu.memory_space<vmem>>) attributes {dimension_semantics = [#tpu.dimension_semantics<arbitrary>], iteration_bounds = array<i64: 8>, scalar_prefetch = 0 : i64, scratch_operands = 0 : i64, tpu.core_type = #tpu.core_type<tc>, window_params = [{transform_indices = @transform_0, window_bounds = array<i64: 1248, 128>}, {transform_indices = @transform_1, window_bounds = array<i64: 1248, 128>}, {transform_indices = @transform_2, window_bounds = array<i64: 1248, 256>}, {pipeline_mode = #tpu.pipeline_mode<synchronous>, transform_indices = @transform_3, window_bounds = array<i64: 256, 768>}, {pipeline_mode = #tpu.pipeline_mode<synchronous>, transform_indices = @transform_4, window_bounds = array<i64: 256, 768>}, {pipeline_mode = #tpu.pipeline_mode<synchronous>, transform_indices = @transform_5, window_bounds = array<i64: 1, 768>}, {pipeline_mode = #tpu.pipeline_mode<synchronous>, transform_indices = @transform_6, window_bounds = array<i64: 1, 768>}, {pipeline_mode = #tpu.pipeline_mode<synchronous>, transform_indices = @transform_7, window_bounds = array<i64: 1, 256>}, {pipeline_mode = #tpu.pipeline_mode<synchronous>, transform_indices = @transform_8, window_bounds = array<i64: 1, 1>}, {pipeline_mode = #tpu.pipeline_mode<synchronous>, transform_indices = @transform_9, window_bounds = array<i64: 8, 256, 128>}, {transform_indices = @transform_10, window_bounds = array<i64: 1248, 256>}, {transform_indices = @transform_11, window_bounds = array<i64: 1248, 128>}, {transform_indices = @transform_12, window_bounds = array<i64: 1248, 128>}, {transform_indices = @transform_13, window_bounds = array<i64: 8, 1248, 128>}]} {
    %get3A = arith.constant 0 : index
    %get3A_0 = arith.constant 0 : index
    %get3A_1 = vector.load %arg1[%get3A, %get3A_0] : memref<1248x128xf32, #tpu.memory_space<vmem>>, vector<1248x128xf32>
    %get3A_2 = arith.constant 0 : index
    %get3A_3 = arith.constant 0 : index
    %get3A_4 = vector.load %arg4[%get3A_2, %get3A_3] : memref<256x768xf32, #tpu.memory_space<vmem>>, vector<128x768xf32>
    %dot_general3A = arith.constant dense<0.000000e+00> : vector<1248x768xf32>
    %dot_general3A_5 = tpu.matmul %get3A_1, %get3A_4, %dot_general3A {dimension_numbers = #tpu.dot_dimension_numbers<[1], [0], [0], [1], [0, 0, 1, 1], [], []>, transpose_lhs_hint = false} : vector<1248x128xf32>, vector<128x768xf32>, vector<1248x768xf32> -> vector<1248x768xf32>
    %get3A_6 = arith.constant 0 : index
    %get3A_7 = arith.constant 0 : index
    %get3A_8 = vector.load %arg2[%get3A_6, %get3A_7] : memref<1248x128xf32, #tpu.memory_space<vmem>>, vector<1248x128xf32>
    %get3A_9 = arith.constant 128 : index
    %get3A_10 = arith.constant 0 : index
    %get3A_11 = vector.load %arg4[%get3A_9, %get3A_10] : memref<256x768xf32, #tpu.memory_space<vmem>>, vector<128x768xf32>
    %dot_general3A_12 = arith.constant dense<0.000000e+00> : vector<1248x768xf32>
    %dot_general3A_13 = tpu.matmul %get3A_8, %get3A_11, %dot_general3A_12 {dimension_numbers = #tpu.dot_dimension_numbers<[1], [0], [0], [1], [0, 0, 1, 1], [], []>, transpose_lhs_hint = false} : vector<1248x128xf32>, vector<128x768xf32>, vector<1248x768xf32> -> vector<1248x768xf32>
    %add3A = arith.addf %dot_general3A_5, %dot_general3A_13 : vector<1248x768xf32>
    %get3A_14 = arith.constant 0 : index
    %get3A_15 = arith.constant 0 : index
    %get3A_16 = vector.load %arg6[%get3A_14, %get3A_15] : memref<1x768xf32, #tpu.memory_space<vmem>>, vector<1x768xf32>
    %get3A_17 = vector.shape_cast %get3A_16 : vector<1x768xf32> to vector<768xf32>
    %broadcast_in_dim3A = vector.shape_cast %get3A_17 : vector<768xf32> to vector<1x768xf32>
    %add3A_18 = vector.broadcast %broadcast_in_dim3A : vector<1x768xf32> to vector<1248x768xf32>
    %add3A_19 = arith.addf %add3A, %add3A_18 : vector<1248x768xf32>
    %get3A_20 = arith.constant 0 : index
    %get3A_21 = arith.constant 0 : index
    %get3A_22 = vector.load %arg3[%get3A_20, %get3A_21] : memref<1248x256xf32, #tpu.memory_space<vmem>>, vector<1248x256xf32>
    %get3A_23 = arith.constant 0 : index
    %get3A_24 = arith.constant 0 : index
    %get3A_25 = vector.load %arg5[%get3A_23, %get3A_24] : memref<256x768xf32, #tpu.memory_space<vmem>>, vector<256x768xf32>
    %dot_general3A_26 = arith.constant dense<0.000000e+00> : vector<1248x768xf32>
    %dot_general3A_27 = tpu.matmul %get3A_22, %get3A_25, %dot_general3A_26 {dimension_numbers = #tpu.dot_dimension_numbers<[1], [0], [0], [1], [0, 0, 1, 1], [], []>, transpose_lhs_hint = false} : vector<1248x256xf32>, vector<256x768xf32>, vector<1248x768xf32> -> vector<1248x768xf32>
    %get3A_28 = arith.constant 0 : index
    %get3A_29 = arith.constant 0 : index
    %get3A_30 = vector.load %arg7[%get3A_28, %get3A_29] : memref<1x768xf32, #tpu.memory_space<vmem>>, vector<1x768xf32>
    %get3A_31 = vector.shape_cast %get3A_30 : vector<1x768xf32> to vector<768xf32>
    %broadcast_in_dim3A_32 = vector.shape_cast %get3A_31 : vector<768xf32> to vector<1x768xf32>
    %add3A_33 = vector.broadcast %broadcast_in_dim3A_32 : vector<1x768xf32> to vector<1248x768xf32>
    %add3A_34 = arith.addf %dot_general3A_27, %add3A_33 : vector<1248x768xf32>
    %slice3A = vector.extract_strided_slice %add3A_19 {offsets = [0, 0], sizes = [1248, 256], strides = [1, 1]} : vector<1248x768xf32> to vector<1248x256xf32>
    %slice3A_35 = vector.extract_strided_slice %add3A_34 {offsets = [0, 0], sizes = [1248, 256], strides = [1, 1]} : vector<1248x768xf32> to vector<1248x256xf32>
    %add3A_36 = arith.addf %slice3A, %slice3A_35 : vector<1248x256xf32>
    %logistic3A = arith.negf %add3A_36 : vector<1248x256xf32>
    %logistic3A_37 = math.exp %logistic3A : vector<1248x256xf32>
    %logistic3A_38 = arith.constant 1.000000e+00 : f32
    %logistic3A_39 = vector.broadcast %logistic3A_38 : f32 to vector<1248x256xf32>
    %logistic3A_40 = arith.addf %logistic3A_39, %logistic3A_37 : vector<1248x256xf32>
    %logistic3A_41 = arith.divf %logistic3A_39, %logistic3A_40 : vector<1248x256xf32>
    %slice3A_42 = vector.extract_strided_slice %add3A_19 {offsets = [0, 256], sizes = [1248, 256], strides = [1, 1]} : vector<1248x768xf32> to vector<1248x256xf32>
    %slice3A_43 = vector.extract_strided_slice %add3A_34 {offsets = [0, 256], sizes = [1248, 256], strides = [1, 1]} : vector<1248x768xf32> to vector<1248x256xf32>
    %add3A_44 = arith.addf %slice3A_42, %slice3A_43 : vector<1248x256xf32>
    %logistic3A_45 = arith.negf %add3A_44 : vector<1248x256xf32>
    %logistic3A_46 = math.exp %logistic3A_45 : vector<1248x256xf32>
    %logistic3A_47 = arith.constant 1.000000e+00 : f32
    %logistic3A_48 = vector.broadcast %logistic3A_47 : f32 to vector<1248x256xf32>
    %logistic3A_49 = arith.addf %logistic3A_48, %logistic3A_46 : vector<1248x256xf32>
    %logistic3A_50 = arith.divf %logistic3A_48, %logistic3A_49 : vector<1248x256xf32>
    %slice3A_51 = vector.extract_strided_slice %add3A_19 {offsets = [0, 512], sizes = [1248, 256], strides = [1, 1]} : vector<1248x768xf32> to vector<1248x256xf32>
    %slice3A_52 = vector.extract_strided_slice %add3A_34 {offsets = [0, 512], sizes = [1248, 256], strides = [1, 1]} : vector<1248x768xf32> to vector<1248x256xf32>
    %mul3A = arith.mulf %logistic3A_41, %slice3A_52 : vector<1248x256xf32>
    %add3A_53 = arith.addf %slice3A_51, %mul3A : vector<1248x256xf32>
    %tanh3A = math.tanh %add3A_53 : vector<1248x256xf32>
    %sub3A = arith.constant 1.000000e+00 : f32
    %sub3A_54 = vector.broadcast %sub3A : f32 to vector<1248x256xf32>
    %sub3A_55 = arith.subf %sub3A_54, %logistic3A_50 : vector<1248x256xf32>
    %mul3A_56 = arith.mulf %sub3A_55, %tanh3A : vector<1248x256xf32>
    %get3A_57 = arith.constant 0 : index
    %get3A_58 = arith.constant 0 : index
    %get3A_59 = vector.load %arg3[%get3A_57, %get3A_58] : memref<1248x256xf32, #tpu.memory_space<vmem>>, vector<1248x256xf32>
    %mul3A_60 = arith.mulf %logistic3A_50, %get3A_59 : vector<1248x256xf32>
    %add3A_61 = arith.addf %mul3A_56, %mul3A_60 : vector<1248x256xf32>
    %swap3A = arith.constant 0 : index
    %swap3A_62 = arith.constant 0 : index
    %swap3A_63 = vector.load %arg11[%swap3A, %swap3A_62] : memref<1248x256xf32, #tpu.memory_space<vmem>>, vector<1248x256xf32>
    tpu.vector_store %arg11[%swap3A, %swap3A_62], %add3A_61 {strides = array<i32>} : memref<1248x256xf32, #tpu.memory_space<vmem>>, vector<1248x256xf32>,
    %get3A_64 = arith.constant 0 : index
    %get3A_65 = arith.constant 0 : index
    %get3A_66 = vector.load %arg8[%get3A_64, %get3A_65] : memref<1x256xf32, #tpu.memory_space<vmem>>, vector<1x256xf32>
    %get3A_67 = vector.shape_cast %get3A_66 : vector<1x256xf32> to vector<256xf32>
    %broadcast_in_dim3A_68 = vector.shape_cast %get3A_67 : vector<256xf32> to vector<1x256xf32>
    %mul3A_69 = vector.broadcast %broadcast_in_dim3A_68 : vector<1x256xf32> to vector<1248x256xf32>
    %mul3A_70 = arith.mulf %add3A_61, %mul3A_69 : vector<1248x256xf32>
    %reduce_sum3A = arith.constant dense<0.000000e+00> : vector<1248xf32>
    %reduce_sum3A_71 = vector.multi_reduction <add>, %mul3A_70, %reduce_sum3A [1] : vector<1248x256xf32> to vector<1248xf32>
    %broadcast_in_dim3A_72 = vector.shape_cast %reduce_sum3A_71 : vector<1248xf32> to vector<1248x1xf32>
    %get3A_73 = arith.constant 0 : index
    %get3A_74 = arith.constant 0 : index
    %get3A_75 = vector.load %arg9[%get3A_73, %get3A_74] : memref<1x1xf32, #tpu.memory_space<vmem>>, vector<1x1xf32>
    %get3A_76 = vector.extract %get3A_75[0, 0] : f32 from vector<1x1xf32>
    %add3A_77 = vector.broadcast %get3A_76 : f32 to vector<1248x1xf32>
    %add3A_78 = arith.addf %broadcast_in_dim3A_72, %add3A_77 : vector<1248x1xf32>
    %broadcast_in_dim3A_79 = vector.shape_cast %add3A_78 : vector<1248x1xf32> to vector<1248x1xf32>
    %broadcast_in_dim3A_80 = vector.broadcast %broadcast_in_dim3A_79 : vector<1248x1xf32> to vector<1248x128xf32>
    %swap3A_81 = arith.constant 0 : index
    %swap3A_82 = arith.constant 0 : index
    %swap3A_83 = vector.load %arg12[%swap3A_81, %swap3A_82] : memref<1248x128xf32, #tpu.memory_space<vmem>>, vector<1248x128xf32>
    tpu.vector_store %arg12[%swap3A_81, %swap3A_82], %broadcast_in_dim3A_80 {strides = array<i32>} : memref<1248x128xf32, #tpu.memory_space<vmem>>, vector<1248x128xf32>,
    %get3A_84 = arith.constant 0 : index
    %get3A_85 = arith.constant 0 : index
    %get3A_86 = vector.load %arg12[%get3A_84, %get3A_85] : memref<1248x128xf32, #tpu.memory_space<vmem>>, vector<1248x128xf32>
    %logistic3A_87 = arith.negf %get3A_86 : vector<1248x128xf32>
    %logistic3A_88 = math.exp %logistic3A_87 : vector<1248x128xf32>
    %logistic3A_89 = arith.constant 1.000000e+00 : f32
    %logistic3A_90 = vector.broadcast %logistic3A_89 : f32 to vector<1248x128xf32>
    %logistic3A_91 = arith.addf %logistic3A_90, %logistic3A_88 : vector<1248x128xf32>
    %logistic3A_92 = arith.divf %logistic3A_90, %logistic3A_91 : vector<1248x128xf32>
    %swap3A_93 = arith.constant 0 : index
    %swap3A_94 = arith.constant 0 : index
    %swap3A_95 = vector.load %arg13[%swap3A_93, %swap3A_94] : memref<1248x128xf32, #tpu.memory_space<vmem>>, vector<1248x128xf32>
    tpu.vector_store %arg13[%swap3A_93, %swap3A_94], %logistic3A_92 {strides = array<i32>} : memref<1248x128xf32, #tpu.memory_space<vmem>>, vector<1248x128xf32>,
    %get3A_96 = arith.constant 0 : index
    %get3A_97 = arith.constant 0 : index
    %get3A_98 = vector.load %arg11[%get3A_96, %get3A_97] : memref<1248x256xf32, #tpu.memory_space<vmem>>, vector<1248x256xf32>
    %get3A_99 = arith.constant 0 : index
    %get3A_100 = arith.constant 0 : index
    %get3A_101 = arith.constant 0 : index
    %get3A_102 = vector.load %arg10[%get3A_99, %get3A_100, %get3A_101] : memref<8x256x128xf32, #tpu.memory_space<vmem>>, vector<1x256x128xf32>
    %get3A_103 = vector.shape_cast %get3A_102 : vector<1x256x128xf32> to vector<256x128xf32>
    %dot_general3A_104 = arith.constant dense<0.000000e+00> : vector<1248x128xf32>
    %dot_general3A_105 = tpu.matmul %get3A_98, %get3A_103, %dot_general3A_104 {dimension_numbers = #tpu.dot_dimension_numbers<[1], [0], [0], [1], [0, 0, 1, 1], [], []>, transpose_lhs_hint = false} : vector<1248x256xf32>, vector<256x128xf32>, vector<1248x128xf32> -> vector<1248x128xf32>
    %swap3A_106 = arith.constant 0 : index
    %swap3A_107 = arith.constant 0 : index
    %swap3A_108 = arith.constant 0 : index
    %swap3A_109 = vector.load %arg14[%swap3A_106, %swap3A_107, %swap3A_108] : memref<8x1248x128xf32, #tpu.memory_space<vmem>>, vector<1x1248x128xf32>
    %swap3A_110 = vector.shape_cast %swap3A_109 : vector<1x1248x128xf32> to vector<1248x128xf32>
    %swap3A_111 = vector.shape_cast %dot_general3A_105 : vector<1248x128xf32> to vector<1x1248x128xf32>
    tpu.vector_store %arg14[%swap3A_106, %swap3A_107, %swap3A_108], %swap3A_111 {strides = array<i32>} : memref<8x1248x128xf32, #tpu.memory_space<vmem>>, vector<1x1248x128xf32>,
    %get3A_112 = arith.constant 1 : index
    %get3A_113 = arith.constant 0 : index
    %get3A_114 = arith.constant 0 : index
    %get3A_115 = vector.load %arg10[%get3A_112, %get3A_113, %get3A_114] : memref<8x256x128xf32, #tpu.memory_space<vmem>>, vector<1x256x128xf32>
    %get3A_116 = vector.shape_cast %get3A_115 : vector<1x256x128xf32> to vector<256x128xf32>
    %dot_general3A_117 = arith.constant dense<0.000000e+00> : vector<1248x128xf32>
    %dot_general3A_118 = tpu.matmul %get3A_98, %get3A_116, %dot_general3A_117 {dimension_numbers = #tpu.dot_dimension_numbers<[1], [0], [0], [1], [0, 0, 1, 1], [], []>, transpose_lhs_hint = false} : vector<1248x256xf32>, vector<256x128xf32>, vector<1248x128xf32> -> vector<1248x128xf32>
    %swap3A_119 = arith.constant 1 : index
    %swap3A_120 = arith.constant 0 : index
    %swap3A_121 = arith.constant 0 : index
    %swap3A_122 = vector.load %arg14[%swap3A_119, %swap3A_120, %swap3A_121] : memref<8x1248x128xf32, #tpu.memory_space<vmem>>, vector<1x1248x128xf32>
    %swap3A_123 = vector.shape_cast %swap3A_122 : vector<1x1248x128xf32> to vector<1248x128xf32>
    %swap3A_124 = vector.shape_cast %dot_general3A_118 : vector<1248x128xf32> to vector<1x1248x128xf32>
    tpu.vector_store %arg14[%swap3A_119, %swap3A_120, %swap3A_121], %swap3A_124 {strides = array<i32>} : memref<8x1248x128xf32, #tpu.memory_space<vmem>>, vector<1x1248x128xf32>,
    %get3A_125 = arith.constant 2 : index
    %get3A_126 = arith.constant 0 : index
    %get3A_127 = arith.constant 0 : index
    %get3A_128 = vector.load %arg10[%get3A_125, %get3A_126, %get3A_127] : memref<8x256x128xf32, #tpu.memory_space<vmem>>, vector<1x256x128xf32>
    %get3A_129 = vector.shape_cast %get3A_128 : vector<1x256x128xf32> to vector<256x128xf32>
    %dot_general3A_130 = arith.constant dense<0.000000e+00> : vector<1248x128xf32>
    %dot_general3A_131 = tpu.matmul %get3A_98, %get3A_129, %dot_general3A_130 {dimension_numbers = #tpu.dot_dimension_numbers<[1], [0], [0], [1], [0, 0, 1, 1], [], []>, transpose_lhs_hint = false} : vector<1248x256xf32>, vector<256x128xf32>, vector<1248x128xf32> -> vector<1248x128xf32>
    %swap3A_132 = arith.constant 2 : index
    %swap3A_133 = arith.constant 0 : index
    %swap3A_134 = arith.constant 0 : index
    %swap3A_135 = vector.load %arg14[%swap3A_132, %swap3A_133, %swap3A_134] : memref<8x1248x128xf32, #tpu.memory_space<vmem>>, vector<1x1248x128xf32>
    %swap3A_136 = vector.shape_cast %swap3A_135 : vector<1x1248x128xf32> to vector<1248x128xf32>
    %swap3A_137 = vector.shape_cast %dot_general3A_131 : vector<1248x128xf32> to vector<1x1248x128xf32>
    tpu.vector_store %arg14[%swap3A_132, %swap3A_133, %swap3A_134], %swap3A_137 {strides = array<i32>} : memref<8x1248x128xf32, #tpu.memory_space<vmem>>, vector<1x1248x128xf32>,
    %get3A_138 = arith.constant 3 : index
    %get3A_139 = arith.constant 0 : index
    %get3A_140 = arith.constant 0 : index
    %get3A_141 = vector.load %arg10[%get3A_138, %get3A_139, %get3A_140] : memref<8x256x128xf32, #tpu.memory_space<vmem>>, vector<1x256x128xf32>
    %get3A_142 = vector.shape_cast %get3A_141 : vector<1x256x128xf32> to vector<256x128xf32>
    %dot_general3A_143 = arith.constant dense<0.000000e+00> : vector<1248x128xf32>
    %dot_general3A_144 = tpu.matmul %get3A_98, %get3A_142, %dot_general3A_143 {dimension_numbers = #tpu.dot_dimension_numbers<[1], [0], [0], [1], [0, 0, 1, 1], [], []>, transpose_lhs_hint = false} : vector<1248x256xf32>, vector<256x128xf32>, vector<1248x128xf32> -> vector<1248x128xf32>
    %swap3A_145 = arith.constant 3 : index
    %swap3A_146 = arith.constant 0 : index
    %swap3A_147 = arith.constant 0 : index
    %swap3A_148 = vector.load %arg14[%swap3A_145, %swap3A_146, %swap3A_147] : memref<8x1248x128xf32, #tpu.memory_space<vmem>>, vector<1x1248x128xf32>
    %swap3A_149 = vector.shape_cast %swap3A_148 : vector<1x1248x128xf32> to vector<1248x128xf32>
    %swap3A_150 = vector.shape_cast %dot_general3A_144 : vector<1248x128xf32> to vector<1x1248x128xf32>
    tpu.vector_store %arg14[%swap3A_145, %swap3A_146, %swap3A_147], %swap3A_150 {strides = array<i32>} : memref<8x1248x128xf32, #tpu.memory_space<vmem>>, vector<1x1248x128xf32>,
    %get3A_151 = arith.constant 4 : index
    %get3A_152 = arith.constant 0 : index
    %get3A_153 = arith.constant 0 : index
    %get3A_154 = vector.load %arg10[%get3A_151, %get3A_152, %get3A_153] : memref<8x256x128xf32, #tpu.memory_space<vmem>>, vector<1x256x128xf32>
    %get3A_155 = vector.shape_cast %get3A_154 : vector<1x256x128xf32> to vector<256x128xf32>
    %dot_general3A_156 = arith.constant dense<0.000000e+00> : vector<1248x128xf32>
    %dot_general3A_157 = tpu.matmul %get3A_98, %get3A_155, %dot_general3A_156 {dimension_numbers = #tpu.dot_dimension_numbers<[1], [0], [0], [1], [0, 0, 1, 1], [], []>, transpose_lhs_hint = false} : vector<1248x256xf32>, vector<256x128xf32>, vector<1248x128xf32> -> vector<1248x128xf32>
    %swap3A_158 = arith.constant 4 : index
    %swap3A_159 = arith.constant 0 : index
    %swap3A_160 = arith.constant 0 : index
    %swap3A_161 = vector.load %arg14[%swap3A_158, %swap3A_159, %swap3A_160] : memref<8x1248x128xf32, #tpu.memory_space<vmem>>, vector<1x1248x128xf32>
    %swap3A_162 = vector.shape_cast %swap3A_161 : vector<1x1248x128xf32> to vector<1248x128xf32>
    %swap3A_163 = vector.shape_cast %dot_general3A_157 : vector<1248x128xf32> to vector<1x1248x128xf32>
    tpu.vector_store %arg14[%swap3A_158, %swap3A_159, %swap3A_160], %swap3A_163 {strides = array<i32>} : memref<8x1248x128xf32, #tpu.memory_space<vmem>>, vector<1x1248x128xf32>,
    %get3A_164 = arith.constant 5 : index
    %get3A_165 = arith.constant 0 : index
    %get3A_166 = arith.constant 0 : index
    %get3A_167 = vector.load %arg10[%get3A_164, %get3A_165, %get3A_166] : memref<8x256x128xf32, #tpu.memory_space<vmem>>, vector<1x256x128xf32>
    %get3A_168 = vector.shape_cast %get3A_167 : vector<1x256x128xf32> to vector<256x128xf32>
    %dot_general3A_169 = arith.constant dense<0.000000e+00> : vector<1248x128xf32>
    %dot_general3A_170 = tpu.matmul %get3A_98, %get3A_168, %dot_general3A_169 {dimension_numbers = #tpu.dot_dimension_numbers<[1], [0], [0], [1], [0, 0, 1, 1], [], []>, transpose_lhs_hint = false} : vector<1248x256xf32>, vector<256x128xf32>, vector<1248x128xf32> -> vector<1248x128xf32>
    %swap3A_171 = arith.constant 5 : index
    %swap3A_172 = arith.constant 0 : index
    %swap3A_173 = arith.constant 0 : index
    %swap3A_174 = vector.load %arg14[%swap3A_171, %swap3A_172, %swap3A_173] : memref<8x1248x128xf32, #tpu.memory_space<vmem>>, vector<1x1248x128xf32>
    %swap3A_175 = vector.shape_cast %swap3A_174 : vector<1x1248x128xf32> to vector<1248x128xf32>
    %swap3A_176 = vector.shape_cast %dot_general3A_170 : vector<1248x128xf32> to vector<1x1248x128xf32>
    tpu.vector_store %arg14[%swap3A_171, %swap3A_172, %swap3A_173], %swap3A_176 {strides = array<i32>} : memref<8x1248x128xf32, #tpu.memory_space<vmem>>, vector<1x1248x128xf32>,
    %get3A_177 = arith.constant 6 : index
    %get3A_178 = arith.constant 0 : index
    %get3A_179 = arith.constant 0 : index
    %get3A_180 = vector.load %arg10[%get3A_177, %get3A_178, %get3A_179] : memref<8x256x128xf32, #tpu.memory_space<vmem>>, vector<1x256x128xf32>
    %get3A_181 = vector.shape_cast %get3A_180 : vector<1x256x128xf32> to vector<256x128xf32>
    %dot_general3A_182 = arith.constant dense<0.000000e+00> : vector<1248x128xf32>
    %dot_general3A_183 = tpu.matmul %get3A_98, %get3A_181, %dot_general3A_182 {dimension_numbers = #tpu.dot_dimension_numbers<[1], [0], [0], [1], [0, 0, 1, 1], [], []>, transpose_lhs_hint = false} : vector<1248x256xf32>, vector<256x128xf32>, vector<1248x128xf32> -> vector<1248x128xf32>
    %swap3A_184 = arith.constant 6 : index
    %swap3A_185 = arith.constant 0 : index
    %swap3A_186 = arith.constant 0 : index
    %swap3A_187 = vector.load %arg14[%swap3A_184, %swap3A_185, %swap3A_186] : memref<8x1248x128xf32, #tpu.memory_space<vmem>>, vector<1x1248x128xf32>
    %swap3A_188 = vector.shape_cast %swap3A_187 : vector<1x1248x128xf32> to vector<1248x128xf32>
    %swap3A_189 = vector.shape_cast %dot_general3A_183 : vector<1248x128xf32> to vector<1x1248x128xf32>
    tpu.vector_store %arg14[%swap3A_184, %swap3A_185, %swap3A_186], %swap3A_189 {strides = array<i32>} : memref<8x1248x128xf32, #tpu.memory_space<vmem>>, vector<1x1248x128xf32>,
    %get3A_190 = arith.constant 7 : index
    %get3A_191 = arith.constant 0 : index
    %get3A_192 = arith.constant 0 : index
    %get3A_193 = vector.load %arg10[%get3A_190, %get3A_191, %get3A_192] : memref<8x256x128xf32, #tpu.memory_space<vmem>>, vector<1x256x128xf32>
    %get3A_194 = vector.shape_cast %get3A_193 : vector<1x256x128xf32> to vector<256x128xf32>
    %dot_general3A_195 = arith.constant dense<0.000000e+00> : vector<1248x128xf32>
    %dot_general3A_196 = tpu.matmul %get3A_98, %get3A_194, %dot_general3A_195 {dimension_numbers = #tpu.dot_dimension_numbers<[1], [0], [0], [1], [0, 0, 1, 1], [], []>, transpose_lhs_hint = false} : vector<1248x256xf32>, vector<256x128xf32>, vector<1248x128xf32> -> vector<1248x128xf32>
    %swap3A_197 = arith.constant 7 : index
    %swap3A_198 = arith.constant 0 : index
    %swap3A_199 = arith.constant 0 : index
    %swap3A_200 = vector.load %arg14[%swap3A_197, %swap3A_198, %swap3A_199] : memref<8x1248x128xf32, #tpu.memory_space<vmem>>, vector<1x1248x128xf32>
    %swap3A_201 = vector.shape_cast %swap3A_200 : vector<1x1248x128xf32> to vector<1248x128xf32>
    %swap3A_202 = vector.shape_cast %dot_general3A_196 : vector<1248x128xf32> to vector<1x1248x128xf32>
    tpu.vector_store %arg14[%swap3A_197, %swap3A_198, %swap3A_199], %swap3A_202 {strides = array<i32>} : memref<8x1248x128xf32, #tpu.memory_space<vmem>>, vector<1x1248x128xf32>,
    return
  }
  func.func @transform_0(%arg0: i32) -> (i32, i32) {
    %c0_i32 = arith.constant 0 : i32
    %c0_i32_0 = arith.constant 0 : i32
    return %arg0, %c0_i32 : i32, i32
  }
  func.func @transform_1(%arg0: i32) -> (i32, i32) {
    %c0_i32 = arith.constant 0 : i32
    %c0_i32_0 = arith.constant 0 : i32
    return %arg0, %c0_i32 : i32, i32
  }
  func.func @transform_2(%arg0: i32) -> (i32, i32) {
    %c0_i32 = arith.constant 0 : i32
    %c0_i32_0 = arith.constant 0 : i32
    return %arg0, %c0_i32 : i32, i32
  }
  func.func @transform_3(%arg0: i32) -> (i32, i32) {
    %c0_i32 = arith.constant 0 : i32
    %c0_i32_0 = arith.constant 0 : i32
    %c0_i32_1 = arith.constant 0 : i32
    return %c0_i32, %c0_i32_0 : i32, i32
  }
  func.func @transform_4(%arg0: i32) -> (i32, i32) {
    %c0_i32 = arith.constant 0 : i32
    %c0_i32_0 = arith.constant 0 : i32
    %c0_i32_1 = arith.constant 0 : i32
    return %c0_i32, %c0_i32_0 : i32, i32
  }
  func.func @transform_5(%arg0: i32) -> (i32, i32) {
    %c0_i32 = arith.constant 0 : i32
    %c0_i32_0 = arith.constant 0 : i32
    %c0_i32_1 = arith.constant 0 : i32
    return %c0_i32, %c0_i32_0 : i32, i32
  }
  func.func @transform_6(%arg0: i32) -> (i32, i32) {
    %c0_i32 = arith.constant 0 : i32
    %c0_i32_0 = arith.constant 0 : i32
    %c0_i32_1 = arith.constant 0 : i32
    return %c0_i32, %c0_i32_0 : i32, i32
  }
  func.func @transform_7(%arg0: i32) -> (i32, i32) {
    %c0_i32 = arith.constant 0 : i32
    %c0_i32_0 = arith.constant 0 : i32
    %c0_i32_1 = arith.constant 0 : i32
    return %c0_i32, %c0_i32_0 : i32, i32
  }
  func.func @transform_8(%arg0: i32) -> (i32, i32) {
    %c0_i32 = arith.constant 0 : i32
    %c0_i32_0 = arith.constant 0 : i32
    %c0_i32_1 = arith.constant 0 : i32
    return %c0_i32, %c0_i32_0 : i32, i32
  }
  func.func @transform_9(%arg0: i32) -> (i32, i32, i32) {
    %c0_i32 = arith.constant 0 : i32
    %c0_i32_0 = arith.constant 0 : i32
    %c0_i32_1 = arith.constant 0 : i32
    %c0_i32_2 = arith.constant 0 : i32
    return %c0_i32, %c0_i32_0, %c0_i32_1 : i32, i32, i32
  }
  func.func @transform_10(%arg0: i32) -> (i32, i32) {
    %c0_i32 = arith.constant 0 : i32
    %c0_i32_0 = arith.constant 0 : i32
    return %arg0, %c0_i32 : i32, i32
  }
  func.func @transform_11(%arg0: i32) -> (i32, i32) {
    %c0_i32 = arith.constant 0 : i32
    %c0_i32_0 = arith.constant 0 : i32
    return %arg0, %c0_i32 : i32, i32
  }
  func.func @transform_12(%arg0: i32) -> (i32, i32) {
    %c0_i32 = arith.constant 0 : i32
    %c0_i32_0 = arith.constant 0 : i32
    return %arg0, %c0_i32 : i32, i32
  }
  func.func @transform_13(%arg0: i32) -> (i32, i32, i32) {
    %c0_i32 = arith.constant 0 : i32
    %c0_i32_0 = arith.constant 0 : i32
    %c0_i32_1 = arith.constant 0 : i32
    return %c0_i32, %arg0, %c0_i32_0 : i32, i32, i32
  }
}

module attributes {stable_mosaic.version = 14 : i64} {
  func.func @_gru_body(%arg0: i32, %arg1: memref<1248x128xf32, #tpu.memory_space<vmem>>, %arg2: memref<1248x128xf32, #tpu.memory_space<vmem>>, %arg3: memref<1248x256xf32, #tpu.memory_space<vmem>>, %arg4: memref<256x768xf32, #tpu.memory_space<vmem>>, %arg5: memref<256x768xf32, #tpu.memory_space<vmem>>, %arg6: memref<1x768xf32, #tpu.memory_space<vmem>>, %arg7: memref<1x768xf32, #tpu.memory_space<vmem>>, %arg8: memref<1x256xf32, #tpu.memory_space<vmem>>, %arg9: memref<1x1xf32, #tpu.memory_space<vmem>>, %arg10: memref<1248x256xf32, #tpu.memory_space<vmem>>, %arg11: memref<1248x128xf32, #tpu.memory_space<vmem>>, %arg12: memref<1248x128xf32, #tpu.memory_space<vmem>>) attributes {dimension_semantics = [#tpu.dimension_semantics<arbitrary>], iteration_bounds = array<i64: 8>, scalar_prefetch = 0 : i64, scratch_operands = 0 : i64, tpu.core_type = #tpu.core_type<tc>, window_params = [{transform_indices = @transform_0, window_bounds = array<i64: 1248, 128>}, {transform_indices = @transform_1, window_bounds = array<i64: 1248, 128>}, {transform_indices = @transform_2, window_bounds = array<i64: 1248, 256>}, {pipeline_mode = #tpu.pipeline_mode<synchronous>, transform_indices = @transform_3, window_bounds = array<i64: 256, 768>}, {pipeline_mode = #tpu.pipeline_mode<synchronous>, transform_indices = @transform_4, window_bounds = array<i64: 256, 768>}, {pipeline_mode = #tpu.pipeline_mode<synchronous>, transform_indices = @transform_5, window_bounds = array<i64: 1, 768>}, {pipeline_mode = #tpu.pipeline_mode<synchronous>, transform_indices = @transform_6, window_bounds = array<i64: 1, 768>}, {pipeline_mode = #tpu.pipeline_mode<synchronous>, transform_indices = @transform_7, window_bounds = array<i64: 1, 256>}, {pipeline_mode = #tpu.pipeline_mode<synchronous>, transform_indices = @transform_8, window_bounds = array<i64: 1, 1>}, {transform_indices = @transform_9, window_bounds = array<i64: 1248, 256>}, {transform_indices = @transform_10, window_bounds = array<i64: 1248, 128>}, {transform_indices = @transform_11, window_bounds = array<i64: 1248, 128>}]} {
    %get3A = arith.constant 0 : index
    %get3A_0 = arith.constant 0 : index
    %get3A_1 = vector.load %arg1[%get3A, %get3A_0] : memref<1248x128xf32, #tpu.memory_space<vmem>>, vector<1248x128xf32>
    %get3A_2 = arith.constant 0 : index
    %get3A_3 = arith.constant 0 : index
    %get3A_4 = vector.load %arg4[%get3A_2, %get3A_3] : memref<256x768xf32, #tpu.memory_space<vmem>>, vector<128x768xf32>
    %dot_general3A = arith.constant dense<0.000000e+00> : vector<1248x768xf32>
    %dot_general3A_5 = tpu.matmul %get3A_1, %get3A_4, %dot_general3A {dimension_numbers = #tpu.dot_dimension_numbers<[1], [0], [0], [1], [0, 0, 1, 1], [], []>, transpose_lhs_hint = false} : vector<1248x128xf32>, vector<128x768xf32>, vector<1248x768xf32> -> vector<1248x768xf32>
    %get3A_6 = arith.constant 0 : index
    %get3A_7 = arith.constant 0 : index
    %get3A_8 = vector.load %arg2[%get3A_6, %get3A_7] : memref<1248x128xf32, #tpu.memory_space<vmem>>, vector<1248x128xf32>
    %get3A_9 = arith.constant 128 : index
    %get3A_10 = arith.constant 0 : index
    %get3A_11 = vector.load %arg4[%get3A_9, %get3A_10] : memref<256x768xf32, #tpu.memory_space<vmem>>, vector<128x768xf32>
    %dot_general3A_12 = arith.constant dense<0.000000e+00> : vector<1248x768xf32>
    %dot_general3A_13 = tpu.matmul %get3A_8, %get3A_11, %dot_general3A_12 {dimension_numbers = #tpu.dot_dimension_numbers<[1], [0], [0], [1], [0, 0, 1, 1], [], []>, transpose_lhs_hint = false} : vector<1248x128xf32>, vector<128x768xf32>, vector<1248x768xf32> -> vector<1248x768xf32>
    %add3A = arith.addf %dot_general3A_5, %dot_general3A_13 : vector<1248x768xf32>
    %get3A_14 = arith.constant 0 : index
    %get3A_15 = arith.constant 0 : index
    %get3A_16 = vector.load %arg6[%get3A_14, %get3A_15] : memref<1x768xf32, #tpu.memory_space<vmem>>, vector<1x768xf32>
    %get3A_17 = vector.shape_cast %get3A_16 : vector<1x768xf32> to vector<768xf32>
    %broadcast_in_dim3A = vector.shape_cast %get3A_17 : vector<768xf32> to vector<1x768xf32>
    %add3A_18 = vector.broadcast %broadcast_in_dim3A : vector<1x768xf32> to vector<1248x768xf32>
    %add3A_19 = arith.addf %add3A, %add3A_18 : vector<1248x768xf32>
    %get3A_20 = arith.constant 0 : index
    %get3A_21 = arith.constant 0 : index
    %get3A_22 = vector.load %arg3[%get3A_20, %get3A_21] : memref<1248x256xf32, #tpu.memory_space<vmem>>, vector<1248x256xf32>
    %get3A_23 = arith.constant 0 : index
    %get3A_24 = arith.constant 0 : index
    %get3A_25 = vector.load %arg5[%get3A_23, %get3A_24] : memref<256x768xf32, #tpu.memory_space<vmem>>, vector<256x768xf32>
    %dot_general3A_26 = arith.constant dense<0.000000e+00> : vector<1248x768xf32>
    %dot_general3A_27 = tpu.matmul %get3A_22, %get3A_25, %dot_general3A_26 {dimension_numbers = #tpu.dot_dimension_numbers<[1], [0], [0], [1], [0, 0, 1, 1], [], []>, transpose_lhs_hint = false} : vector<1248x256xf32>, vector<256x768xf32>, vector<1248x768xf32> -> vector<1248x768xf32>
    %get3A_28 = arith.constant 0 : index
    %get3A_29 = arith.constant 0 : index
    %get3A_30 = vector.load %arg7[%get3A_28, %get3A_29] : memref<1x768xf32, #tpu.memory_space<vmem>>, vector<1x768xf32>
    %get3A_31 = vector.shape_cast %get3A_30 : vector<1x768xf32> to vector<768xf32>
    %broadcast_in_dim3A_32 = vector.shape_cast %get3A_31 : vector<768xf32> to vector<1x768xf32>
    %add3A_33 = vector.broadcast %broadcast_in_dim3A_32 : vector<1x768xf32> to vector<1248x768xf32>
    %add3A_34 = arith.addf %dot_general3A_27, %add3A_33 : vector<1248x768xf32>
    %slice3A = vector.extract_strided_slice %add3A_19 {offsets = [0, 0], sizes = [1248, 256], strides = [1, 1]} : vector<1248x768xf32> to vector<1248x256xf32>
    %slice3A_35 = vector.extract_strided_slice %add3A_34 {offsets = [0, 0], sizes = [1248, 256], strides = [1, 1]} : vector<1248x768xf32> to vector<1248x256xf32>
    %add3A_36 = arith.addf %slice3A, %slice3A_35 : vector<1248x256xf32>
    %logistic3A = arith.negf %add3A_36 : vector<1248x256xf32>
    %logistic3A_37 = math.exp %logistic3A : vector<1248x256xf32>
    %logistic3A_38 = arith.constant 1.000000e+00 : f32
    %logistic3A_39 = vector.broadcast %logistic3A_38 : f32 to vector<1248x256xf32>
    %logistic3A_40 = arith.addf %logistic3A_39, %logistic3A_37 : vector<1248x256xf32>
    %logistic3A_41 = arith.divf %logistic3A_39, %logistic3A_40 : vector<1248x256xf32>
    %slice3A_42 = vector.extract_strided_slice %add3A_19 {offsets = [0, 256], sizes = [1248, 256], strides = [1, 1]} : vector<1248x768xf32> to vector<1248x256xf32>
    %slice3A_43 = vector.extract_strided_slice %add3A_34 {offsets = [0, 256], sizes = [1248, 256], strides = [1, 1]} : vector<1248x768xf32> to vector<1248x256xf32>
    %add3A_44 = arith.addf %slice3A_42, %slice3A_43 : vector<1248x256xf32>
    %logistic3A_45 = arith.negf %add3A_44 : vector<1248x256xf32>
    %logistic3A_46 = math.exp %logistic3A_45 : vector<1248x256xf32>
    %logistic3A_47 = arith.constant 1.000000e+00 : f32
    %logistic3A_48 = vector.broadcast %logistic3A_47 : f32 to vector<1248x256xf32>
    %logistic3A_49 = arith.addf %logistic3A_48, %logistic3A_46 : vector<1248x256xf32>
    %logistic3A_50 = arith.divf %logistic3A_48, %logistic3A_49 : vector<1248x256xf32>
    %slice3A_51 = vector.extract_strided_slice %add3A_19 {offsets = [0, 512], sizes = [1248, 256], strides = [1, 1]} : vector<1248x768xf32> to vector<1248x256xf32>
    %slice3A_52 = vector.extract_strided_slice %add3A_34 {offsets = [0, 512], sizes = [1248, 256], strides = [1, 1]} : vector<1248x768xf32> to vector<1248x256xf32>
    %mul3A = arith.mulf %logistic3A_41, %slice3A_52 : vector<1248x256xf32>
    %add3A_53 = arith.addf %slice3A_51, %mul3A : vector<1248x256xf32>
    %tanh3A = math.tanh %add3A_53 : vector<1248x256xf32>
    %sub3A = arith.constant 1.000000e+00 : f32
    %sub3A_54 = vector.broadcast %sub3A : f32 to vector<1248x256xf32>
    %sub3A_55 = arith.subf %sub3A_54, %logistic3A_50 : vector<1248x256xf32>
    %mul3A_56 = arith.mulf %sub3A_55, %tanh3A : vector<1248x256xf32>
    %get3A_57 = arith.constant 0 : index
    %get3A_58 = arith.constant 0 : index
    %get3A_59 = vector.load %arg3[%get3A_57, %get3A_58] : memref<1248x256xf32, #tpu.memory_space<vmem>>, vector<1248x256xf32>
    %mul3A_60 = arith.mulf %logistic3A_50, %get3A_59 : vector<1248x256xf32>
    %add3A_61 = arith.addf %mul3A_56, %mul3A_60 : vector<1248x256xf32>
    %swap3A = arith.constant 0 : index
    %swap3A_62 = arith.constant 0 : index
    %swap3A_63 = vector.load %arg10[%swap3A, %swap3A_62] : memref<1248x256xf32, #tpu.memory_space<vmem>>, vector<1248x256xf32>
    tpu.vector_store %arg10[%swap3A, %swap3A_62], %add3A_61 {strides = array<i32>} : memref<1248x256xf32, #tpu.memory_space<vmem>>, vector<1248x256xf32>,
    %get3A_64 = arith.constant 0 : index
    %get3A_65 = arith.constant 0 : index
    %get3A_66 = vector.load %arg8[%get3A_64, %get3A_65] : memref<1x256xf32, #tpu.memory_space<vmem>>, vector<1x256xf32>
    %get3A_67 = vector.shape_cast %get3A_66 : vector<1x256xf32> to vector<256xf32>
    %broadcast_in_dim3A_68 = vector.shape_cast %get3A_67 : vector<256xf32> to vector<1x256xf32>
    %mul3A_69 = vector.broadcast %broadcast_in_dim3A_68 : vector<1x256xf32> to vector<1248x256xf32>
    %mul3A_70 = arith.mulf %add3A_61, %mul3A_69 : vector<1248x256xf32>
    %reduce_sum3A = arith.constant dense<0.000000e+00> : vector<1248xf32>
    %reduce_sum3A_71 = vector.multi_reduction <add>, %mul3A_70, %reduce_sum3A [1] : vector<1248x256xf32> to vector<1248xf32>
    %broadcast_in_dim3A_72 = vector.shape_cast %reduce_sum3A_71 : vector<1248xf32> to vector<1248x1xf32>
    %get3A_73 = arith.constant 0 : index
    %get3A_74 = arith.constant 0 : index
    %get3A_75 = vector.load %arg9[%get3A_73, %get3A_74] : memref<1x1xf32, #tpu.memory_space<vmem>>, vector<1x1xf32>
    %get3A_76 = vector.extract %get3A_75[0, 0] : f32 from vector<1x1xf32>
    %add3A_77 = vector.broadcast %get3A_76 : f32 to vector<1248x1xf32>
    %add3A_78 = arith.addf %broadcast_in_dim3A_72, %add3A_77 : vector<1248x1xf32>
    %broadcast_in_dim3A_79 = vector.shape_cast %add3A_78 : vector<1248x1xf32> to vector<1248x1xf32>
    %broadcast_in_dim3A_80 = vector.broadcast %broadcast_in_dim3A_79 : vector<1248x1xf32> to vector<1248x128xf32>
    %swap3A_81 = arith.constant 0 : index
    %swap3A_82 = arith.constant 0 : index
    %swap3A_83 = vector.load %arg11[%swap3A_81, %swap3A_82] : memref<1248x128xf32, #tpu.memory_space<vmem>>, vector<1248x128xf32>
    tpu.vector_store %arg11[%swap3A_81, %swap3A_82], %broadcast_in_dim3A_80 {strides = array<i32>} : memref<1248x128xf32, #tpu.memory_space<vmem>>, vector<1248x128xf32>,
    %get3A_84 = arith.constant 0 : index
    %get3A_85 = arith.constant 0 : index
    %get3A_86 = vector.load %arg11[%get3A_84, %get3A_85] : memref<1248x128xf32, #tpu.memory_space<vmem>>, vector<1248x128xf32>
    %logistic3A_87 = arith.negf %get3A_86 : vector<1248x128xf32>
    %logistic3A_88 = math.exp %logistic3A_87 : vector<1248x128xf32>
    %logistic3A_89 = arith.constant 1.000000e+00 : f32
    %logistic3A_90 = vector.broadcast %logistic3A_89 : f32 to vector<1248x128xf32>
    %logistic3A_91 = arith.addf %logistic3A_90, %logistic3A_88 : vector<1248x128xf32>
    %logistic3A_92 = arith.divf %logistic3A_90, %logistic3A_91 : vector<1248x128xf32>
    %swap3A_93 = arith.constant 0 : index
    %swap3A_94 = arith.constant 0 : index
    %swap3A_95 = vector.load %arg12[%swap3A_93, %swap3A_94] : memref<1248x128xf32, #tpu.memory_space<vmem>>, vector<1248x128xf32>
    tpu.vector_store %arg12[%swap3A_93, %swap3A_94], %logistic3A_92 {strides = array<i32>} : memref<1248x128xf32, #tpu.memory_space<vmem>>, vector<1248x128xf32>,
    return
  }
  func.func @transform_0(%arg0: i32) -> (i32, i32) {
    %c0_i32 = arith.constant 0 : i32
    %c0_i32_0 = arith.constant 0 : i32
    return %arg0, %c0_i32 : i32, i32
  }
  func.func @transform_1(%arg0: i32) -> (i32, i32) {
    %c0_i32 = arith.constant 0 : i32
    %c0_i32_0 = arith.constant 0 : i32
    return %arg0, %c0_i32 : i32, i32
  }
  func.func @transform_2(%arg0: i32) -> (i32, i32) {
    %c0_i32 = arith.constant 0 : i32
    %c0_i32_0 = arith.constant 0 : i32
    return %arg0, %c0_i32 : i32, i32
  }
  func.func @transform_3(%arg0: i32) -> (i32, i32) {
    %c0_i32 = arith.constant 0 : i32
    %c0_i32_0 = arith.constant 0 : i32
    %c0_i32_1 = arith.constant 0 : i32
    return %c0_i32, %c0_i32_0 : i32, i32
  }
  func.func @transform_4(%arg0: i32) -> (i32, i32) {
    %c0_i32 = arith.constant 0 : i32
    %c0_i32_0 = arith.constant 0 : i32
    %c0_i32_1 = arith.constant 0 : i32
    return %c0_i32, %c0_i32_0 : i32, i32
  }
  func.func @transform_5(%arg0: i32) -> (i32, i32) {
    %c0_i32 = arith.constant 0 : i32
    %c0_i32_0 = arith.constant 0 : i32
    %c0_i32_1 = arith.constant 0 : i32
    return %c0_i32, %c0_i32_0 : i32, i32
  }
  func.func @transform_6(%arg0: i32) -> (i32, i32) {
    %c0_i32 = arith.constant 0 : i32
    %c0_i32_0 = arith.constant 0 : i32
    %c0_i32_1 = arith.constant 0 : i32
    return %c0_i32, %c0_i32_0 : i32, i32
  }
  func.func @transform_7(%arg0: i32) -> (i32, i32) {
    %c0_i32 = arith.constant 0 : i32
    %c0_i32_0 = arith.constant 0 : i32
    %c0_i32_1 = arith.constant 0 : i32
    return %c0_i32, %c0_i32_0 : i32, i32
  }
  func.func @transform_8(%arg0: i32) -> (i32, i32) {
    %c0_i32 = arith.constant 0 : i32
    %c0_i32_0 = arith.constant 0 : i32
    %c0_i32_1 = arith.constant 0 : i32
    return %c0_i32, %c0_i32_0 : i32, i32
  }
  func.func @transform_9(%arg0: i32) -> (i32, i32) {
    %c0_i32 = arith.constant 0 : i32
    %c0_i32_0 = arith.constant 0 : i32
    return %arg0, %c0_i32 : i32, i32
  }
  func.func @transform_10(%arg0: i32) -> (i32, i32) {
    %c0_i32 = arith.constant 0 : i32
    %c0_i32_0 = arith.constant 0 : i32
    return %arg0, %c0_i32 : i32, i32
  }
  func.func @transform_11(%arg0: i32) -> (i32, i32) {
    %c0_i32 = arith.constant 0 : i32
    %c0_i32_0 = arith.constant 0 : i32
    return %arg0, %c0_i32 : i32, i32
  }
}

</mosaic_0001>

<sc_bundles>
// kernel: kernel.11.cloned.1.call-start
scs
__scs_entry_jumppad:
0x0: {  	(pc) =	sbr.rel $0x88, $3  }
0x1: {  	(tag) =	ssettag $0x0;
	lr =	simm.s32 $0x1  }
0x2: {  	[smem:$0x3F8F] =	sst lr;
	_ =	strace $0xD0000000  }
0x3: {  	_ = 	snop  }
0x4: {  	_ = 	snop  }
0x5: {  	_ = 	snop  }
0x6: {  	_ = 	snop  }
0x7: {  	_ = 	snop  }
__scs_overlays_trampoline_lowered:
0x8: {  	[smem:$0x3F9E] =	sst s0  }
0x9: {  	[smem:$0x3F9F] =	sst s1  }
0xa: {  	[smem:$0x3FA0] =	sst s2  }
0xb: {  	[smem:$0x3FA1] =	sst s3  }
0xc: {  	[smem:$0x3FA2] =	sst s4  }
0xd: {  	[smem:$0x3FA3] =	sst s5  }
0xe: {  	[smem:$0x3FA4] =	sst s6  }
0xf: {  	[smem:$0x3FA5] =	sst s7  }
0x10: {  	[smem:$0x3FA6] =	sst s8  }
0x11: {  	[smem:$0x3FA7] =	sst s9;
	s0 =	simm.s32 @!p0 $0x0  }
0x12: {  	s1 =	sld [smem:$0x3F8D];
	s0 =	simm.s32 @p0 $0x1  }
0x13: {  	[smem:$0x3FA8] =	sst s0;
	s0 =	simm.s32 @!p1 $0x0  }
0x14: {  	s2 =	sld [smem:$0x3F8C];
	s0 =	simm.s32 @p1 $0x1  }
0x15: {  	[smem:$0x3FA9] =	sst s0;
	s0 =	simm.s32 @!p2 $0x0  }
0x16: {  	s3 =	sld [smem:$0x3FDB];
	s0 =	simm.s32 @p2 $0x1  }
0x17: {  	s4 =	simm.s32 $0x1BF5;
	[smem:$0x3FAB] =	sst s0  }
0x18: {  	s0 =	sld [smem:$0x3F8E];
	_ =	swait.ge [sflag:s4], $0x0  }
0x19: {  	s7 =	sld [smem:$0x3F8F]  }
0x1a: {  	s8 =	sadd.s32 $0xFFFFE003, lr  }
0x1b: {  	s9 =	sadd.s32 $0xFFFFFEF7, lr;
	s5 =	simm.s32 $0xFFFFFFFF;
	p2 =	slt.u32 s8, $0xFFFFF086  }
0x1c: {  	p1 =	slt.u32 s9, $0xF7A;
	s5 =	simm.s32 @!p2 $0x0  }
0x1d: {  	s5 =	simm.s32 @p1 $0x1;
	p0 =	seq.s32 s7, s2  }
0x1e: {  	s7 =	smul.u32 @!p0 $0xF7A, s2;
	p2 =	seq.s32 @!p0 s5, $0x0  }
0x1f: {  	s9 =	smul.u32 $0xF7A, s1;
	s8 =	simm.s32 @!p0 $0x1BF5;
	p2 =	por !p2, p0  }
0x20: {  	[sflag:s8] =	ssyncset.s32 @!p0 $0xFFFFF086;
	s6 =	sadd.s32 @!p0 s3, s7;
	s7 =	simm.s32 @!p0 $0x108  }
0x21: {  	s3 =	sadd.s32 s3, s9;
	s6 =	sadd.s32 @!p0 $0x88, s6;
	s7 =	simm.s32 @p2 $0x1082  }
0x22: {  	[simem:s7], [sflag:s8] =	dma.local @!p0 [hbm:s6], $0xF7A  }
0x23: {  	s9 =	sor.u32 $0xD0000000, s2;
	s6 =	simm.s32 $0x108;
	_ =	swait.ge @!p0 [sflag:s8], $0x0  }
0x24: {  	s3 =	sadd.s32 $0x88, s3;
	s6 =	simm.s32 @!p1 $0x1082;
	[sflag:s4] =	ssyncset.s32 $0xFFFFF086  }
0x25: {  	[simem:s6], [sflag:s4] =	dma.local [hbm:s3], $0xF7A  }
0x26: {  	[smem:$0x3F8F] =	sst s1;
	(tag) =	ssettag s2;
	_ =	strace s9  }
0x27: {  	s1 =	sld [smem:$0x3F9F]  }
0x28: {  	s2 =	sld [smem:$0x3FA0]  }
0x29: {  	s4 =	sld [smem:$0x3FA2]  }
0x2a: {  	p0 =	seq.s32 s5, $0x0;
	s5 =	sld [smem:$0x3FA3]  }
0x2b: {  	s6 =	sld [smem:$0x3FA4]  }
0x2c: {  	s7 =	sld [smem:$0x3FA5]  }
0x2d: {  	s3 =	simm.s32 $0x108;
	s8 =	sld [smem:$0x3FA6]  }
0x2e: {  	s3 =	simm.s32 @!p0 $0x1082;
	s9 =	sld [smem:$0x3FA7]  }
0x2f: {  	lr =	sadd.s32 s0, s3;
	s0 =	sld [smem:$0x3F9E]  }
0x30: {  	s3 =	sld [smem:$0x3FA1]  }
0x31: {  	[smem:$0x3FAA] =	sst s10  }
0x32: {  	s10 =	sld [smem:$0x3FA8];
	_ =	sdelay $0x3  }
0x33: {  	p0 =	seq.s32 s10, $0x1;
	s10 =	sld [smem:$0x3FAA];
	_ =	sdelay $0x3  }
0x34: {  	[smem:$0x3FAA] =	sst s10  }
0x35: {  	s10 =	sld [smem:$0x3FA9];
	_ =	sdelay $0x3  }
0x36: {  	p1 =	seq.s32 s10, $0x1;
	s10 =	sld [smem:$0x3FAA];
	_ =	sdelay $0x3  }
0x37: {  	[smem:$0x3FAA] =	sst s10  }
0x38: {  	s10 =	sld [smem:$0x3FAB]  }
0x39: {  	_ = 	snop;
	(pc) =	sbr.ind lr, $3  }
0x3a: {  	_ = 	snop  }
0x3b: {  	_ = 	snop  }
0x3c: {  	p2 =	seq.s32 s10, $0x1;
	s10 =	sld [smem:$0x3FAA]  }
0x3d: {  	_ =	shalt  }
0x3e: {  	_ =	shalt  }
0x3f: {  	_ =	shalt  }
0x40: {  	_ =	shalt  }
0x41: {  	_ =	shalt  }
0x42: {  	_ =	shalt  }
0x43: {  	_ =	shalt  }
0x44: {  	_ =	shalt  }
0x45: {  	_ =	shalt  }
0x46: {  	_ =	shalt  }
0x47: {  	_ =	shalt  }
0x48: {  	_ =	shalt  }
0x49: {  	_ =	shalt  }
0x4a: {  	_ =	shalt  }
0x4b: {  	_ =	shalt  }
0x4c: {  	_ =	shalt  }
0x4d: {  	_ =	shalt  }
0x4e: {  	_ =	shalt  }
0x4f: {  	_ =	shalt  }
0x50: {  	_ =	shalt  }
0x51: {  	_ =	shalt  }
0x52: {  	_ =	shalt  }
0x53: {  	_ =	shalt  }
0x54: {  	_ =	shalt  }
0x55: {  	_ =	shalt  }
0x56: {  	_ =	shalt  }
0x57: {  	_ =	shalt  }
0x58: {  	_ =	shalt  }
0x59: {  	_ =	shalt  }
0x5a: {  	_ =	shalt  }
0x5b: {  	_ =	shalt  }
0x5c: {  	_ =	shalt  }
0x5d: {  	_ =	shalt  }
0x5e: {  	_ =	shalt  }
0x5f: {  	_ =	shalt  }
0x60: {  	_ =	shalt  }
0x61: {  	_ =	shalt  }
0x62: {  	_ =	shalt  }
0x63: {  	_ =	shalt  }
0x64: {  	_ =	shalt  }
0x65: {  	_ =	shalt  }
0x66: {  	_ =	shalt  }
0x67: {  	_ =	shalt  }
0x68: {  	_ =	shalt  }
0x69: {  	_ =	shalt  }
0x6a: {  	_ =	shalt  }
0x6b: {  	_ =	shalt  }
0x6c: {  	_ =	shalt  }
0x6d: {  	_ =	shalt  }
0x6e: {  	_ =	shalt  }
0x6f: {  	_ =	shalt  }
0x70: {  	_ =	shalt  }
0x71: {  	_ =	shalt  }
0x72: {  	_ =	shalt  }
0x73: {  	_ =	shalt  }
0x74: {  	_ =	shalt  }
0x75: {  	_ =	shalt  }
0x76: {  	_ =	shalt  }
0x77: {  	_ =	shalt  }
0x78: {  	_ =	shalt  }
0x79: {  	_ =	shalt  }
0x7a: {  	_ =	shalt  }
0x7b: {  	_ =	shalt  }
0x7c: {  	_ =	shalt  }
0x7d: {  	_ =	shalt  }
0x7e: {  	_ =	shalt  }
0x7f: {  	_ =	shalt  }
0x80: {  	_ =	shalt  }
0x81: {  	_ =	shalt  }
0x82: {  	_ =	shalt  }
0x83: {  	_ =	shalt  }
0x84: {  	_ =	shalt  }
0x85: {  	_ =	shalt  }
0x86: {  	_ =	shalt  }
0x87: {  	_ =	shalt  }
.Lfunc_end0:
.L_simem_size_0:
called_computation.1_lowered:
.L_overlay_start_0:
0x88: {  	s2 =	sld [smem:$0x3FD9]  }
0x89: {  	s3 =	sld [smem:$0x3FFE];
	_ =	sdelay $0x1  }
0x8a: {  	s1 =	srdreg.scid  }
0x8b: {  	s0 =	sand.u32 $0x1, s1  }
0x8c: {  	s16 =	sshll.u32 s0, $0xA;
	s2 =	sadd.s32 s3, s2  }
0x8d: {  	s2 =	sadd.s32 s2, s16  }
0x8e: {  	[smem:$0x3FB6] =	sst s2  }
0x8f: {  	_ = 	snop  }
0x90: {  	(tm) =	ssettm $0x1  }
0x91: {  	s17 =	sld [smem:$0x3FFB];
	_ =	sdelay $0x3  }
0x92: {  	_ =	strace s17  }
0x93: {  	s2 =	sld [smem:$0x3FFC];
	_ =	sdelay $0x3  }
0x94: {  	_ =	strace s2  }
0x95: {  	s2 =	sld [smem:$0x3FFD];
	_ =	sdelay $0x3  }
0x96: {  	_ =	strace s2  }
0x97: {  	_ =	strace $0x8FFFFFFF  }
0x98: {  	s18 =	sld [smem:$0x3FDB];
	_ =	sdelay $0x1  }
0x99: {  	s19 =	simm.s32 $_scs_section_size  }
0x9a: {  	s4 =	simm.s32 $_size__tile_overlayer_lowered;
	s5 =	simm.s32 $_tile_overlayer_lowered  }
0x9b: {  	s22 =	simm.s32 $0x1BFF;
	s21 =	sshll.u32 s5, $0x1;
	s2 =	sadd.s32 s19, s18  }
0x9c: {  	s6 =	simm.s32 $0x0;
	s20 =	sshll.u32 s4, $0x1;
	s4 =	sadd.s32 s21, s2  }
0x9d: {  	[timem:s6], [sflag:s22] =	dma.local [hbm:s4], s20  }
0x9e: {  	_ =	swait.ge [sflag:s22], s20  }
0x9f: {  	s3 =	ssub.s32 $0x0, s20;
	[sflag:s22] =	ssyncset.done $0x0  }
0xa0: {  	[sflag:s22] =	ssyncadd.s32 s3;
	_ =	sdelay $0x1  }
0xa1: {  	s23 =	simm.s32 $0x1B8B  }
0xa2: {  	_ =	swait.ge [sflag:s23], $0x1  }
0xa3: {  	[sflag:s23] =	ssyncset.done $0x0  }
0xa4: {  	s25 =	simm.s32 $0x1B8E;
	s24 =	sld [smem:$0x3FFE];
	[sflag:s23] =	ssyncadd.s32 $0xFFFFFFFF  }
0xa5: {  	s26 =	simm.s32 $execute0_lowered;
	[smem:$0x3FD2] =	sst s25  }
0xa6: {  	s4 =	sshll.u32 s26, $0x1;
	_ =	strace $0x80000049;
	[dreg:$0x1] =	wrdreg $0xFFFFFFFF  }
0xa7: {  	s28 =	simm.s32 $_size_execute0_lowered;
	s2 =	sadd.s32 s2, s4;
	[dreg:$0x0] =	wrdreg $0x0  }
0xa8: {  	s4 =	sshll.u32 s28, $0x1;
	[dreg:$0x2] =	wrdreg s2  }
0xa9: {  	[dreg:$0x3] =	wrdreg s4  }
0xaa: {  	[dreg:$0x4] =	wrdreg $0xC0  }
0xab: {  	_ =	task [dreg:s6], $0x5FFFF  }
0xac: {  	[dreg:$0x1] =	wrdreg $0xFFFFFFFF  }
0xad: {  	[dreg:$0x0] =	wrdreg $0x60  }
0xae: {  	[dreg:$0x2] =	wrdreg s24  }
0xaf: {  	[dreg:$0x3] =	wrdreg $0xA0000  }
0xb0: {  	[dreg:$0x4] =	wrdreg $0x9  }
0xb1: {  	_ =	task.clear_ibuf [dreg:s6], $0x5FFFF;
	_ =	strace $0x90000049  }
0xb2: {  	s29 =	simm.s32 $0x9;
	_ =	strace $0x8000004B  }
0xb3: {  	_ =	swait.ge [sflag:s29], $0x1  }
0xb4: {  	[sflag:s29] =	ssyncadd.s32 $0xFFFFFFFF  }
0xb5: {  	_ =	strace $0x9000004B  }
0xb6: {  	_ =	sfence  }
0xb7: {  	s30 =	sld [smem:$0x0];
	_ =	sdelay $0x2  }
0xb8: {  	s31 =	sshll.u32 s1, $0xD;
	s1 =	sshrl.u32 s1, $0x2  }
0xb9: {  	s3 =	sand.u32 $0x4000, s31;
	s1 =	sadd.s32 s1, s30  }
0xba: {  	s0 =	sor.u32 s3, s0;
	s1 =	sshll.u32 s1, $0x11  }
0xbb: {  	s0 =	sor.u32 s1, s0  }
0xbc: {  	s0 =	sadd.s32 $0x8F2B, s0  }
0xbd: {  	[sflag:s0] =	ssyncadd.remote.s32 $0x1  }
0xbe: {  	_ =	sfence.sel $0xFFFF  }
0xbf: {  	[dreg:$0x0] =	wrdreg $0xFFFFFFFF;
	(pc) =	sbr.abs _section_cstart, $3  }
0xc0: {  	[dreg:$0x1] =	wrdreg $0xFFFFFFFF  }
0xc1: {  	_ =	task.clear_ibuf [dreg:s6], $0x2FFFF;
	_ =	strace $0x9FFFFFFF  }
0xc2: {  	(tm) =	ssettm $0x7FFFFFFF  }
0xc3: {  	_ =	shalt  }
tec
execute0_lowered:
.L_overlay_start_1:
0x0: {  	(tag) =	ssettag $0x1  }
0x1: {  	s5 =	rddreg [dreg:$0x0]  }
0x2: {  	s1 =	rddreg [dreg:$0x1];
	s3 =	srdreg.scid  }
0x3: {  	s0 =	rddreg [dreg:$0x2];
	s6 =	sand.u32 $0x1, s3  }
0x4: {  	s3 =	stileid.u32;
	s7 =	smul.u32 $0xA000, s6  }
0x5: {  	s2 =	simm.s32 $0x0;
	s16 =	simm.s32 $0x1;
	s11 =	smul.u32 $0xA00, s3  }
0x6: {  	s17 =	simm.s32 $0x2;
	s18 =	simm.s32 $0xF80;
	s8 =	smul.u32 $0x2780, s3  }
0x7: {  	s19 =	simm.s32 $0x1F00;
	s20 =	simm.s32 $0x1F80;
	s9 =	smul.u32 $0x27000, s6  }
0x8: {  	[smem:$0x7FF] =	sst s2;
	s4 =	sadd.s32 $0x1F5600, s5;
	s13 =	smul.u32 $0x4F000, s3  }
0x9: {  	_ =	strace $0x8000004A;
	s6 =	ssub.s32 $0x2, s6;
	s30 =	smul.u32 $0x4E000, s3  }
0xa: {  	s29 =	sshll.u32 s3, $0x6;
	s23 =	smul.u32 $0x2700, s3;
	s12 =	sshrl.u32 s6, $0x1  }
0xb: {  	s7 =	sadd.s32 s7, s5;
	s10 =	sadd.s32 s11, s5;
	s8 =	sadd.s32 s8, s5  }
0xc: {  	s9 =	sadd.s32 s9, s5;
	s12 =	ssub.s32 s6, s12;
	s28 =	sshrl.u32 s13, $0x2  }
0xd: {  	s6 =	sor.u32 $0x1C03, s29;
	s31 =	sshrl.u32 s30, $0x2;
	s13 =	simm.s32 $0x80  }
0xe: {  	s14 =	sadd.s32 s28, s1;
	s5 =	sadd.s32 $0x1CDE00, s8;
	s15 =	sadd.s32 $0x33E00, s7  }
0xf: {  	s7 =	sadd.s32 $0x1E00, s10;
	s21 =	sadd.s32 $0x47E00, s9;
	s22 =	sadd.s32 s31, s1  }
0x10: {  	s8 =	smax.u32 s12, $0x1;
	s10 =	simm.s32 $0x3;
	s12 =	simm.s32 $0x1000  }
0x11: {  	s9 =	sshrl.u32 s14, $0x3;
	s11 =	sadd.s32 s11, s15;
	s14 =	simm.s32 $0x2000  }
0x12: {  	s15 =	simm.s32 $0x6000;
	s21 =	sadd.s32 s23, s21;
	s22 =	sshrl.u32 s22, $0x3  }
.LBB2_1:
0x13: {  	[spmem:s9], [sflag:s6] =	dma.local [hbm:s5], $0x2780  }
0x14: {  	_ =	swait.ge [sflag:s10], $0x2780  }
0x15: {  	[sflag:s10] =	ssyncset.done $0x0  }
0x16: {  	[sflag:s10] =	ssyncadd.s32 $0xFFFFD880  }
0x17: {  	s23 =	simm.s32 $0x0;
	[bflag:$0x0] =	sbarrier.arrive $0xFFFF  }
.LBB2_2:
0x18: {  	s24 =	sshll.u32 s23, $0x9  }
0x19: {  	s26 =	simm.s32 $0x0;
	s25 =	sadd.s32 s24, s11  }
0x1a: {  	[tilespmem:s26], [sflag:$0x3] =	stream.linear.gather [hbm4b:s25+s26], $0x1000, $0x38;
	[tilespmem:$0x1DC00] =	vst v63  }
0x1b: {  	_ =	swait.ge [sflag:s10], $0x1000  }
0x1c: {  	[sflag:s10] =	ssyncset.done $0x0  }
0x1d: {  	s24 =	sadd.s32 s24, s7;
	[sflag:s10] =	ssyncadd.s32 $0xFFFFF000  }
0x1e: {  	[tilespmem:s12], [sflag:$0x3] =	stream.linear.gather [hbm4b:s24+s26], $0x1000, $0x38;
	[tilespmem:$0x1DC00] =	vst v63  }
0x1f: {  	_ =	swait.ge [sflag:s10], $0x1000  }
0x20: {  	[sflag:s10] =	ssyncset.done $0x0  }
0x21: {  	[sflag:s10] =	ssyncadd.s32 $0xFFFFF000  }
0x22: {  	[tilespmem:s14], [sflag:$0x1] =	stream.indirect.gather [hbm4b:s4+s13], $0x80, s26, s13, $0xb8;
	[tilespmem:$0x1DC00] =	vst v63  }
0x23: {  	s28 =	simm.s32 $0x80  }
0x24: {  	[tilespmem:s15], [sflag:$0x2] =	stream.indirect.gather [hbm4b:s4+s13], $0x80, s28, s13, $0xb8;
	[tilespmem:$0x1DC00] =	vst v63  }
0x25: {  	_ =	swait.ge [sflag:s16], $0x4000  }
0x26: {  	[sflag:s16] =	ssyncset.done $0x0  }
0x27: {  	s29 =	simm.s32 $0x1000;
	[sflag:s16] =	ssyncadd.s32 $0xFFFFC000  }
0x28: {  	[spmem:s1] =	stream.indirect.scatter.add.f32 [tilespmem:s14], [sflag:$0x3], $0x80, s29, s13, $0xb8;
	[tilespmem:$0x1DC00] =	vst v63  }
0x29: {  	_ =	swait.ge [sflag:s10], $0x4000  }
0x2a: {  	[sflag:s10] =	ssyncset.done $0x0  }
0x2b: {  	s30 =	simm.s32 $0x100;
	[sflag:s10] =	ssyncadd.s32 $0xFFFFC000  }
0x2c: {  	[tilespmem:s14], [sflag:$0x1] =	stream.indirect.gather [hbm4b:s4+s13], $0x80, s30, s13, $0xb8;
	[tilespmem:$0x1DC00] =	vst v63  }
0x2d: {  	_ =	swait.ge [sflag:s17], $0x4000  }
0x2e: {  	[sflag:s17] =	ssyncset.done $0x0  }
0x2f: {  	s31 =	simm.s32 $0x1080;
	[sflag:s17] =	ssyncadd.s32 $0xFFFFC000  }
0x30: {  	[spmem:s1] =	stream.indirect.scatter.add.f32 [tilespmem:s15], [sflag:$0x3], $0x80, s31, s13, $0xb8;
	[tilespmem:$0x1DC00] =	vst v63  }
0x31: {  	_ =	swait.ge [sflag:s10], $0x4000  }
0x32: {  	s25 =	simm.s32 $0x800;
	s24 =	simm.s32 $0x100;
	[sflag:s10] =	ssyncset.done $0x0  }
.LBB2_3:
0x33: {  	s26 =	sadd.s32 $0x80, s24  }
0x34: {  	[sflag:s10] =	ssyncadd.s32 $0xFFFFC000;
	s28 =	smov.u32 s25;
	s29 =	sadd.s32 $0x400, s25  }
0x35: {  	[tilespmem:s15], [sflag:$0x2] =	stream.indirect.gather [hbm4b:s4+s13], $0x80, s26, s13, $0xb8;
	[tilespmem:$0x1DC00] =	vst v63  }
0x36: {  	p0 =	sne.s32 s25, $0x3800;
	_ =	swait.ge [sflag:s16], $0x4000  }
0x37: {  	[sflag:s16] =	ssyncset.done $0x0  }
0x38: {  	s25 =	sadd.s32 $0x1000, s24;
	[sflag:s16] =	ssyncadd.s32 $0xFFFFC000  }
0x39: {  	[spmem:s1] =	stream.indirect.scatter.add.f32 [tilespmem:s14], [sflag:$0x3], $0x80, s25, s13, $0xb8;
	[tilespmem:$0x1DC00] =	vst v63  }
0x3a: {  	_ =	swait.ge [sflag:s10], $0x4000  }
0x3b: {  	[sflag:s10] =	ssyncset.done $0x0  }
0x3c: {  	s25 =	sadd.s32 $0x100, s24;
	[sflag:s10] =	ssyncadd.s32 $0xFFFFC000  }
0x3d: {  	[tilespmem:s14], [sflag:$0x1] =	stream.indirect.gather [hbm4b:s4+s13], $0x80, s25, s13, $0xb8;
	[tilespmem:$0x1DC00] =	vst v63  }
0x3e: {  	_ =	swait.ge [sflag:s17], $0x4000  }
.Ltmp0:
0x3f: {  	[sflag:s17] =	ssyncset.done $0x0;
	(pc) =	sbr.rel @p0 .LBB2_3-.Ltmp0, $4  }
0x40: {  	s24 =	sadd.s32 $0x1080, s24;
	[sflag:s17] =	ssyncadd.s32 $0xFFFFC000  }
0x41: {  	[spmem:s1] =	stream.indirect.scatter.add.f32 [tilespmem:s15], [sflag:$0x3], $0x80, s24, s13, $0xb8;
	[tilespmem:$0x1DC00] =	vst v63  }
0x42: {  	_ =	swait.ge [sflag:s10], $0x4000  }
0x43: {  	s25 =	smov.u32 s29;
	s24 =	sshra.s32 s28, $0x2;
	[sflag:s10] =	ssyncset.done $0x0  }
0x44: {  	s25 =	sadd.s32 $0x80, s24;
	[sflag:s10] =	ssyncadd.s32 $0xFFFFC000  }
0x45: {  	[tilespmem:s15], [sflag:$0x2] =	stream.indirect.gather [hbm4b:s4+s13], $0x80, s25, s13, $0xb8;
	[tilespmem:$0x1DC00] =	vst v63  }
0x46: {  	_ =	swait.ge [sflag:s16], $0x4000  }
0x47: {  	[sflag:s16] =	ssyncset.done $0x0  }
0x48: {  	s29 =	sadd.s32 $0x1000, s24;
	[sflag:s16] =	ssyncadd.s32 $0xFFFFC000  }
0x49: {  	[spmem:s1] =	stream.indirect.scatter.add.f32 [tilespmem:s14], [sflag:$0x3], $0x80, s29, s13, $0xb8;
	[tilespmem:$0x1DC00] =	vst v63  }
0x4a: {  	_ =	swait.ge [sflag:s10], $0x4000  }
0x4b: {  	[sflag:s10] =	ssyncset.done $0x0  }
0x4c: {  	s30 =	sadd.s32 $0x100, s24;
	[sflag:s10] =	ssyncadd.s32 $0xFFFFC000  }
0x4d: {  	[tilespmem:s14], [sflag:$0x1] =	stream.indirect.gather [hbm4b:s4+s13], $0x80, s30, s13, $0xb8;
	[tilespmem:$0x1DC00] =	vst v63  }
0x4e: {  	_ =	swait.ge [sflag:s17], $0x4000  }
0x4f: {  	[sflag:s17] =	ssyncset.done $0x0  }
0x50: {  	s31 =	sadd.s32 $0x1080, s24;
	[sflag:s17] =	ssyncadd.s32 $0xFFFFC000  }
0x51: {  	[spmem:s1] =	stream.indirect.scatter.add.f32 [tilespmem:s15], [sflag:$0x3], $0x80, s31, s13, $0xb8;
	[tilespmem:$0x1DC00] =	vst v63  }
0x52: {  	_ =	swait.ge [sflag:s10], $0x4000  }
0x53: {  	[sflag:s10] =	ssyncset.done $0x0  }
0x54: {  	[sflag:s10] =	ssyncadd.s32 $0xFFFFC000  }
0x55: {  	[tilespmem:s15], [sflag:$0x2] =	stream.indirect.gather [hbm4b:s4+s13], $0x80, s18, s13, $0xb8;
	[tilespmem:$0x1DC00] =	vst v63  }
0x56: {  	_ =	swait.ge [sflag:s16], $0x4000  }
0x57: {  	[sflag:s16] =	ssyncset.done $0x0  }
0x58: {  	[sflag:s16] =	ssyncadd.s32 $0xFFFFC000  }
0x59: {  	[spmem:s1] =	stream.indirect.scatter.add.f32 [tilespmem:s14], [sflag:$0x3], $0x80, s19, s13, $0xb8;
	[tilespmem:$0x1DC00] =	vst v63  }
0x5a: {  	_ =	swait.ge [sflag:s10], $0x4000  }
0x5b: {  	[sflag:s10] =	ssyncset.done $0x0  }
0x5c: {  	[sflag:s10] =	ssyncadd.s32 $0xFFFFC000  }
0x5d: {  	[tilespmem:s14], [sflag:$0x1] =	stream.indirect.gather [hbm4b:s4+s13], $0x80, s18, s13, $0xb8;
	[tilespmem:$0x1DC00] =	vst v63  }
0x5e: {  	_ =	swait.ge [sflag:s17], $0x4000  }
0x5f: {  	[sflag:s17] =	ssyncset.done $0x0  }
0x60: {  	s23 =	sadd.s32 $0x1, s23;
	[sflag:s17] =	ssyncadd.s32 $0xFFFFC000  }
0x61: {  	[spmem:s1] =	stream.indirect.scatter.add.f32 [tilespmem:s15], [sflag:$0x3], $0x80, s20, s13, $0xb8;
	[tilespmem:$0x1DC00] =	vst v63  }
0x62: {  	p0 =	sne.s32 s23, $0x5;
	_ =	swait.ge [sflag:s10], $0x4000  }
.Ltmp1:
0x63: {  	[sflag:s10] =	ssyncset.done $0x0;
	(pc) =	sbr.rel @p0 .LBB2_2-.Ltmp1, $4  }
0x64: {  	[sflag:s10] =	ssyncadd.s32 $0xFFFFC000  }
0x65: {  	_ =	swait.ge [sflag:s16], $0x4000  }
0x66: {  	[sflag:s16] =	ssyncset.done $0x0  }
0x67: {  	[sflag:s16] =	ssyncadd.s32 $0xFFFFC000  }
0x68: {  	s2 =	sadd.s32 $0x1, s2  }
0x69: {  	p0 =	sne.s32 s2, s8  }
.Ltmp2:
0x6a: {  	[bflag:$0x0] =	sbarrier.arrive $0xFFFF;
	(pc) =	sbr.rel @p0 .LBB2_1-.Ltmp2, $4  }
0x6b: {  	[hbm:s21], [sflag:s6] =	dma.local [spmem:s22], $0x2700  }
0x6c: {  	_ =	swait.ge [sflag:s10], $0x2700  }
0x6d: {  	[sflag:s10] =	ssyncset.done $0x0  }
0x6e: {  	[sflag:s10] =	ssyncadd.s32 $0xFFFFD900  }
0x6f: {  	_ =	sfence.sel $0x180000  }
0x70: {  	[bflag:$0x0] =	sbarrier.arrive $0xFFFF  }
0x71: {  	p0 =	sne.s32 s3, $0x0;
	_ =	strace $0x9000004A  }
0x72: {  	s0 =	sadd.s32 @!p0 $0x100000, s0;
	[bflag:$0x2] =	sbarrier.arrive $0xFFFF  }
0x73: {  	[sflag:s0] =	ssyncadd.tile.s32 @!p0 $0x1;
	_ =	shalt  }
.Lfunc_end2:
_tile_overlayer_lowered:
.L_overlay_start_2:
0x74: {  	(tag) =	ssettag $0x2  }
0x75: {  	s0 =	rddreg [dreg:$0x0];
	s2 =	stileid.u32  }
0x76: {  	s1 =	rddreg [dreg:$0x1];
	p0 =	sne.s32 s2, $0x0  }
0x77: {  	s3 =	rddreg [dreg:$0x2];
	[bflag:$0x3] =	sbarrier.arrive $0xFFFF;
	s2 =	simm.s32 @!p0 $0x1C03  }
0x78: {  	[timem:s3], [sflag:s2] =	dma.local @!p0 [hbm:s0], s1  }
0x79: {  	s0 =	simm.s32 @!p0 $0x3  }
0x7a: {  	_ =	swait.ge @!p0 [sflag:s0], s1  }
0x7b: {  	s1 =	ssub.s32 @!p0 $0x0, s1;
	[sflag:s0] =	ssyncset.done @!p0 $0x0  }
0x7c: {  	[sflag:s0] =	ssyncadd.s32 @!p0 s1  }
0x7d: {  	[bflag:$0x3] =	sbarrier.arrive $0xFFFF  }
0x7e: {  	_ =	shalt  }

// kernel: kernel.8.cloned.1.call-start
scs
__scs_entry_jumppad:
0x0: {  	(pc) =	sbr.rel $0x88, $3  }
0x1: {  	(tag) =	ssettag $0x0;
	lr =	simm.s32 $0x1  }
0x2: {  	[smem:$0x3F8F] =	sst lr;
	_ =	strace $0xD0000000  }
0x3: {  	_ = 	snop  }
0x4: {  	_ = 	snop  }
0x5: {  	_ = 	snop  }
0x6: {  	_ = 	snop  }
0x7: {  	_ = 	snop  }
__scs_overlays_trampoline_lowered:
0x8: {  	[smem:$0x3F9E] =	sst s0  }
0x9: {  	[smem:$0x3F9F] =	sst s1  }
0xa: {  	[smem:$0x3FA0] =	sst s2  }
0xb: {  	[smem:$0x3FA1] =	sst s3  }
0xc: {  	[smem:$0x3FA2] =	sst s4  }
0xd: {  	[smem:$0x3FA3] =	sst s5  }
0xe: {  	[smem:$0x3FA4] =	sst s6  }
0xf: {  	[smem:$0x3FA5] =	sst s7  }
0x10: {  	[smem:$0x3FA6] =	sst s8  }
0x11: {  	[smem:$0x3FA7] =	sst s9;
	s0 =	simm.s32 @!p0 $0x0  }
0x12: {  	s1 =	sld [smem:$0x3F8D];
	s0 =	simm.s32 @p0 $0x1  }
0x13: {  	[smem:$0x3FA8] =	sst s0;
	s0 =	simm.s32 @!p1 $0x0  }
0x14: {  	s2 =	sld [smem:$0x3F8C];
	s0 =	simm.s32 @p1 $0x1  }
0x15: {  	[smem:$0x3FA9] =	sst s0;
	s0 =	simm.s32 @!p2 $0x0  }
0x16: {  	s3 =	sld [smem:$0x3FDB];
	s0 =	simm.s32 @p2 $0x1  }
0x17: {  	s4 =	simm.s32 $0x1BF5;
	[smem:$0x3FAB] =	sst s0  }
0x18: {  	s0 =	sld [smem:$0x3F8E];
	_ =	swait.ge [sflag:s4], $0x0  }
0x19: {  	s7 =	sld [smem:$0x3F8F]  }
0x1a: {  	s8 =	sadd.s32 $0xFFFFE003, lr  }
0x1b: {  	s9 =	sadd.s32 $0xFFFFFEF7, lr;
	s5 =	simm.s32 $0xFFFFFFFF;
	p2 =	slt.u32 s8, $0xFFFFF086  }
0x1c: {  	p1 =	slt.u32 s9, $0xF7A;
	s5 =	simm.s32 @!p2 $0x0  }
0x1d: {  	s5 =	simm.s32 @p1 $0x1;
	p0 =	seq.s32 s7, s2  }
0x1e: {  	s7 =	smul.u32 @!p0 $0xF7A, s2;
	p2 =	seq.s32 @!p0 s5, $0x0  }
0x1f: {  	s9 =	smul.u32 $0xF7A, s1;
	s8 =	simm.s32 @!p0 $0x1BF5;
	p2 =	por !p2, p0  }
0x20: {  	[sflag:s8] =	ssyncset.s32 @!p0 $0xFFFFF086;
	s6 =	sadd.s32 @!p0 s3, s7;
	s7 =	simm.s32 @!p0 $0x108  }
0x21: {  	s3 =	sadd.s32 s3, s9;
	s6 =	sadd.s32 @!p0 $0x88, s6;
	s7 =	simm.s32 @p2 $0x1082  }
0x22: {  	[simem:s7], [sflag:s8] =	dma.local @!p0 [hbm:s6], $0xF7A  }
0x23: {  	s9 =	sor.u32 $0xD0000000, s2;
	s6 =	simm.s32 $0x108;
	_ =	swait.ge @!p0 [sflag:s8], $0x0  }
0x24: {  	s3 =	sadd.s32 $0x88, s3;
	s6 =	simm.s32 @!p1 $0x1082;
	[sflag:s4] =	ssyncset.s32 $0xFFFFF086  }
0x25: {  	[simem:s6], [sflag:s4] =	dma.local [hbm:s3], $0xF7A  }
0x26: {  	[smem:$0x3F8F] =	sst s1;
	(tag) =	ssettag s2;
	_ =	strace s9  }
0x27: {  	s1 =	sld [smem:$0x3F9F]  }
0x28: {  	s2 =	sld [smem:$0x3FA0]  }
0x29: {  	s4 =	sld [smem:$0x3FA2]  }
0x2a: {  	p0 =	seq.s32 s5, $0x0;
	s5 =	sld [smem:$0x3FA3]  }
0x2b: {  	s6 =	sld [smem:$0x3FA4]  }
0x2c: {  	s7 =	sld [smem:$0x3FA5]  }
0x2d: {  	s3 =	simm.s32 $0x108;
	s8 =	sld [smem:$0x3FA6]  }
0x2e: {  	s3 =	simm.s32 @!p0 $0x1082;
	s9 =	sld [smem:$0x3FA7]  }
0x2f: {  	lr =	sadd.s32 s0, s3;
	s0 =	sld [smem:$0x3F9E]  }
0x30: {  	s3 =	sld [smem:$0x3FA1]  }
0x31: {  	[smem:$0x3FAA] =	sst s10  }
0x32: {  	s10 =	sld [smem:$0x3FA8];
	_ =	sdelay $0x3  }
0x33: {  	p0 =	seq.s32 s10, $0x1;
	s10 =	sld [smem:$0x3FAA];
	_ =	sdelay $0x3  }
0x34: {  	[smem:$0x3FAA] =	sst s10  }
0x35: {  	s10 =	sld [smem:$0x3FA9];
	_ =	sdelay $0x3  }
0x36: {  	p1 =	seq.s32 s10, $0x1;
	s10 =	sld [smem:$0x3FAA];
	_ =	sdelay $0x3  }
0x37: {  	[smem:$0x3FAA] =	sst s10  }
0x38: {  	s10 =	sld [smem:$0x3FAB]  }
0x39: {  	_ = 	snop;
	(pc) =	sbr.ind lr, $3  }
0x3a: {  	_ = 	snop  }
0x3b: {  	_ = 	snop  }
0x3c: {  	p2 =	seq.s32 s10, $0x1;
	s10 =	sld [smem:$0x3FAA]  }
0x3d: {  	_ =	shalt  }
0x3e: {  	_ =	shalt  }
0x3f: {  	_ =	shalt  }
0x40: {  	_ =	shalt  }
0x41: {  	_ =	shalt  }
0x42: {  	_ =	shalt  }
0x43: {  	_ =	shalt  }
0x44: {  	_ =	shalt  }
0x45: {  	_ =	shalt  }
0x46: {  	_ =	shalt  }
0x47: {  	_ =	shalt  }
0x48: {  	_ =	shalt  }
0x49: {  	_ =	shalt  }
0x4a: {  	_ =	shalt  }
0x4b: {  	_ =	shalt  }
0x4c: {  	_ =	shalt  }
0x4d: {  	_ =	shalt  }
0x4e: {  	_ =	shalt  }
0x4f: {  	_ =	shalt  }
0x50: {  	_ =	shalt  }
0x51: {  	_ =	shalt  }
0x52: {  	_ =	shalt  }
0x53: {  	_ =	shalt  }
0x54: {  	_ =	shalt  }
0x55: {  	_ =	shalt  }
0x56: {  	_ =	shalt  }
0x57: {  	_ =	shalt  }
0x58: {  	_ =	shalt  }
0x59: {  	_ =	shalt  }
0x5a: {  	_ =	shalt  }
0x5b: {  	_ =	shalt  }
0x5c: {  	_ =	shalt  }
0x5d: {  	_ =	shalt  }
0x5e: {  	_ =	shalt  }
0x5f: {  	_ =	shalt  }
0x60: {  	_ =	shalt  }
0x61: {  	_ =	shalt  }
0x62: {  	_ =	shalt  }
0x63: {  	_ =	shalt  }
0x64: {  	_ =	shalt  }
0x65: {  	_ =	shalt  }
0x66: {  	_ =	shalt  }
0x67: {  	_ =	shalt  }
0x68: {  	_ =	shalt  }
0x69: {  	_ =	shalt  }
0x6a: {  	_ =	shalt  }
0x6b: {  	_ =	shalt  }
0x6c: {  	_ =	shalt  }
0x6d: {  	_ =	shalt  }
0x6e: {  	_ =	shalt  }
0x6f: {  	_ =	shalt  }
0x70: {  	_ =	shalt  }
0x71: {  	_ =	shalt  }
0x72: {  	_ =	shalt  }
0x73: {  	_ =	shalt  }
0x74: {  	_ =	shalt  }
0x75: {  	_ =	shalt  }
0x76: {  	_ =	shalt  }
0x77: {  	_ =	shalt  }
0x78: {  	_ =	shalt  }
0x79: {  	_ =	shalt  }
0x7a: {  	_ =	shalt  }
0x7b: {  	_ =	shalt  }
0x7c: {  	_ =	shalt  }
0x7d: {  	_ =	shalt  }
0x7e: {  	_ =	shalt  }
0x7f: {  	_ =	shalt  }
0x80: {  	_ =	shalt  }
0x81: {  	_ =	shalt  }
0x82: {  	_ =	shalt  }
0x83: {  	_ =	shalt  }
0x84: {  	_ =	shalt  }
0x85: {  	_ =	shalt  }
0x86: {  	_ =	shalt  }
0x87: {  	_ =	shalt  }
.Lfunc_end0:
.L_simem_size_0:
called_computation_lowered:
.L_overlay_start_0:
0x88: {  	s2 =	sld [smem:$0x3FD9]  }
0x89: {  	s3 =	sld [smem:$0x3FFE];
	_ =	sdelay $0x1  }
0x8a: {  	s1 =	srdreg.scid  }
0x8b: {  	s0 =	sand.u32 $0x1, s1  }
0x8c: {  	s16 =	sshll.u32 s0, $0xA;
	s2 =	sadd.s32 s3, s2  }
0x8d: {  	s2 =	sadd.s32 s2, s16  }
0x8e: {  	[smem:$0x3FB6] =	sst s2  }
0x8f: {  	_ = 	snop  }
0x90: {  	(tm) =	ssettm $0x1  }
0x91: {  	s17 =	sld [smem:$0x3FFB];
	_ =	sdelay $0x3  }
0x92: {  	_ =	strace s17  }
0x93: {  	s2 =	sld [smem:$0x3FFC];
	_ =	sdelay $0x3  }
0x94: {  	_ =	strace s2  }
0x95: {  	s2 =	sld [smem:$0x3FFD];
	_ =	sdelay $0x3  }
0x96: {  	_ =	strace s2  }
0x97: {  	_ =	strace $0x8FFFFFFF  }
0x98: {  	s18 =	sld [smem:$0x3FDB];
	_ =	sdelay $0x1  }
0x99: {  	s19 =	simm.s32 $_scs_section_size  }
0x9a: {  	s4 =	simm.s32 $_size__tile_overlayer_lowered;
	s5 =	simm.s32 $_tile_overlayer_lowered  }
0x9b: {  	s22 =	simm.s32 $0x1BFF;
	s21 =	sshll.u32 s5, $0x1;
	s2 =	sadd.s32 s19, s18  }
0x9c: {  	s6 =	simm.s32 $0x0;
	s20 =	sshll.u32 s4, $0x1;
	s4 =	sadd.s32 s21, s2  }
0x9d: {  	[timem:s6], [sflag:s22] =	dma.local [hbm:s4], s20  }
0x9e: {  	_ =	swait.ge [sflag:s22], s20  }
0x9f: {  	s3 =	ssub.s32 $0x0, s20;
	[sflag:s22] =	ssyncset.done $0x0  }
0xa0: {  	[sflag:s22] =	ssyncadd.s32 s3;
	_ =	sdelay $0x1  }
0xa1: {  	s23 =	simm.s32 $0x1B8B  }
0xa2: {  	_ =	swait.ge [sflag:s23], $0x1  }
0xa3: {  	[sflag:s23] =	ssyncset.done $0x0  }
0xa4: {  	s25 =	simm.s32 $0x1B8E;
	s24 =	sld [smem:$0x3FFE];
	[sflag:s23] =	ssyncadd.s32 $0xFFFFFFFF  }
0xa5: {  	s26 =	simm.s32 $execute0_lowered;
	[smem:$0x3FD2] =	sst s25  }
0xa6: {  	s4 =	sshll.u32 s26, $0x1;
	_ =	strace $0x80000046;
	[dreg:$0x1] =	wrdreg $0xFFFFFFFF  }
0xa7: {  	s28 =	simm.s32 $_size_execute0_lowered;
	s2 =	sadd.s32 s2, s4;
	[dreg:$0x0] =	wrdreg $0x0  }
0xa8: {  	s4 =	sshll.u32 s28, $0x1;
	[dreg:$0x2] =	wrdreg s2  }
0xa9: {  	[dreg:$0x3] =	wrdreg s4  }
0xaa: {  	[dreg:$0x4] =	wrdreg $0xC0  }
0xab: {  	_ =	task [dreg:s6], $0x5FFFF  }
0xac: {  	[dreg:$0x1] =	wrdreg $0xFFFFFFFF  }
0xad: {  	[dreg:$0x0] =	wrdreg $0x60  }
0xae: {  	[dreg:$0x2] =	wrdreg s24  }
0xaf: {  	[dreg:$0x3] =	wrdreg $0xA0000  }
0xb0: {  	[dreg:$0x4] =	wrdreg $0x9  }
0xb1: {  	_ =	task.clear_ibuf [dreg:s6], $0x5FFFF;
	_ =	strace $0x90000046  }
0xb2: {  	s29 =	simm.s32 $0x9;
	_ =	strace $0x80000048  }
0xb3: {  	_ =	swait.ge [sflag:s29], $0x1  }
0xb4: {  	[sflag:s29] =	ssyncadd.s32 $0xFFFFFFFF  }
0xb5: {  	_ =	strace $0x90000048  }
0xb6: {  	_ =	sfence  }
0xb7: {  	s30 =	sld [smem:$0x0];
	_ =	sdelay $0x2  }
0xb8: {  	s31 =	sshll.u32 s1, $0xD;
	s1 =	sshrl.u32 s1, $0x2  }
0xb9: {  	s3 =	sand.u32 $0x4000, s31;
	s1 =	sadd.s32 s1, s30  }
0xba: {  	s0 =	sor.u32 s3, s0;
	s1 =	sshll.u32 s1, $0x11  }
0xbb: {  	s0 =	sor.u32 s1, s0  }
0xbc: {  	s0 =	sadd.s32 $0x8F2B, s0  }
0xbd: {  	[sflag:s0] =	ssyncadd.remote.s32 $0x1  }
0xbe: {  	_ =	sfence.sel $0xFFFF  }
0xbf: {  	[dreg:$0x0] =	wrdreg $0xFFFFFFFF;
	(pc) =	sbr.abs _section_cstart, $3  }
0xc0: {  	[dreg:$0x1] =	wrdreg $0xFFFFFFFF  }
0xc1: {  	_ =	task.clear_ibuf [dreg:s6], $0x2FFFF;
	_ =	strace $0x9FFFFFFF  }
0xc2: {  	(tm) =	ssettm $0x7FFFFFFF  }
0xc3: {  	_ =	shalt  }
tec
execute0_lowered:
.L_overlay_start_1:
0x0: {  	(tag) =	ssettag $0x1  }
0x1: {  	s5 =	rddreg [dreg:$0x0]  }
0x2: {  	s1 =	rddreg [dreg:$0x1];
	s2 =	srdreg.scid  }
0x3: {  	s0 =	rddreg [dreg:$0x2];
	s6 =	sand.u32 $0x1, s2  }
0x4: {  	s2 =	stileid.u32;
	s7 =	smul.u32 $0xA000, s6  }
0x5: {  	s3 =	simm.s32 $0x0;
	s16 =	simm.s32 $0x1;
	s11 =	smul.u32 $0xA00, s2  }
0x6: {  	s17 =	simm.s32 $0x2;
	s18 =	simm.s32 $0xF80;
	s8 =	smul.u32 $0x2780, s2  }
0x7: {  	s19 =	simm.s32 $0x1F00;
	s20 =	simm.s32 $0x1F80;
	s9 =	smul.u32 $0x27000, s6  }
0x8: {  	[smem:$0x7FF] =	sst s3;
	s4 =	sadd.s32 $0x47E00, s5;
	s13 =	smul.u32 $0x4F000, s2  }
0x9: {  	_ =	strace $0x80000047;
	s6 =	ssub.s32 $0x2, s6;
	s30 =	smul.u32 $0x4E000, s2  }
0xa: {  	s29 =	sshll.u32 s2, $0x6;
	s23 =	smul.u32 $0x2700, s2;
	s12 =	sshrl.u32 s6, $0x1  }
0xb: {  	s7 =	sadd.s32 s7, s5;
	s10 =	sadd.s32 s11, s5;
	s8 =	sadd.s32 s8, s5  }
0xc: {  	s9 =	sadd.s32 s9, s5;
	s12 =	ssub.s32 s6, s12;
	s28 =	sshrl.u32 s13, $0x2  }
0xd: {  	s6 =	sor.u32 $0x1C03, s29;
	s31 =	sshrl.u32 s30, $0x2;
	s13 =	simm.s32 $0x80  }
0xe: {  	s14 =	sadd.s32 s28, s1;
	s5 =	sadd.s32 $0x1CDE00, s8;
	s15 =	sadd.s32 $0x33E00, s7  }
0xf: {  	s7 =	sadd.s32 $0x1E00, s10;
	s21 =	sadd.s32 $0x1F5600, s9;
	s22 =	sadd.s32 s31, s1  }
0x10: {  	s8 =	smax.u32 s12, $0x1;
	s10 =	simm.s32 $0x3;
	s12 =	simm.s32 $0x1000  }
0x11: {  	s9 =	sshrl.u32 s14, $0x3;
	s11 =	sadd.s32 s11, s15;
	s14 =	simm.s32 $0x2000  }
0x12: {  	s15 =	simm.s32 $0x6000;
	s21 =	sadd.s32 s23, s21;
	s22 =	sshrl.u32 s22, $0x3  }
.LBB2_1:
0x13: {  	[spmem:s9], [sflag:s6] =	dma.local [hbm:s5], $0x2780  }
0x14: {  	_ =	swait.ge [sflag:s10], $0x2780  }
0x15: {  	[sflag:s10] =	ssyncset.done $0x0  }
0x16: {  	[sflag:s10] =	ssyncadd.s32 $0xFFFFD880  }
0x17: {  	s23 =	simm.s32 $0x0;
	[bflag:$0x0] =	sbarrier.arrive $0xFFFF  }
.LBB2_2:
0x18: {  	s24 =	sshll.u32 s23, $0x9  }
0x19: {  	s26 =	simm.s32 $0x0;
	s25 =	sadd.s32 s24, s11  }
0x1a: {  	[tilespmem:s26], [sflag:$0x3] =	stream.linear.gather [hbm4b:s25+s26], $0x1000, $0x38;
	[tilespmem:$0x1DC00] =	vst v63  }
0x1b: {  	_ =	swait.ge [sflag:s10], $0x1000  }
0x1c: {  	[sflag:s10] =	ssyncset.done $0x0  }
0x1d: {  	s24 =	sadd.s32 s24, s7;
	[sflag:s10] =	ssyncadd.s32 $0xFFFFF000  }
0x1e: {  	[tilespmem:s12], [sflag:$0x3] =	stream.linear.gather [hbm4b:s24+s26], $0x1000, $0x38;
	[tilespmem:$0x1DC00] =	vst v63  }
0x1f: {  	_ =	swait.ge [sflag:s10], $0x1000  }
0x20: {  	[sflag:s10] =	ssyncset.done $0x0  }
0x21: {  	[sflag:s10] =	ssyncadd.s32 $0xFFFFF000  }
0x22: {  	[tilespmem:s14], [sflag:$0x1] =	stream.indirect.gather [hbm4b:s4+s13], $0x80, s26, s13, $0xb8;
	[tilespmem:$0x1DC00] =	vst v63  }
0x23: {  	s28 =	simm.s32 $0x80  }
0x24: {  	[tilespmem:s15], [sflag:$0x2] =	stream.indirect.gather [hbm4b:s4+s13], $0x80, s28, s13, $0xb8;
	[tilespmem:$0x1DC00] =	vst v63  }
0x25: {  	_ =	swait.ge [sflag:s16], $0x4000  }
0x26: {  	[sflag:s16] =	ssyncset.done $0x0  }
0x27: {  	s29 =	simm.s32 $0x1000;
	[sflag:s16] =	ssyncadd.s32 $0xFFFFC000  }
0x28: {  	[spmem:s1] =	stream.indirect.scatter.add.f32 [tilespmem:s14], [sflag:$0x3], $0x80, s29, s13, $0xb8;
	[tilespmem:$0x1DC00] =	vst v63  }
0x29: {  	_ =	swait.ge [sflag:s10], $0x4000  }
0x2a: {  	[sflag:s10] =	ssyncset.done $0x0  }
0x2b: {  	s30 =	simm.s32 $0x100;
	[sflag:s10] =	ssyncadd.s32 $0xFFFFC000  }
0x2c: {  	[tilespmem:s14], [sflag:$0x1] =	stream.indirect.gather [hbm4b:s4+s13], $0x80, s30, s13, $0xb8;
	[tilespmem:$0x1DC00] =	vst v63  }
0x2d: {  	_ =	swait.ge [sflag:s17], $0x4000  }
0x2e: {  	[sflag:s17] =	ssyncset.done $0x0  }
0x2f: {  	s31 =	simm.s32 $0x1080;
	[sflag:s17] =	ssyncadd.s32 $0xFFFFC000  }
0x30: {  	[spmem:s1] =	stream.indirect.scatter.add.f32 [tilespmem:s15], [sflag:$0x3], $0x80, s31, s13, $0xb8;
	[tilespmem:$0x1DC00] =	vst v63  }
0x31: {  	_ =	swait.ge [sflag:s10], $0x4000  }
0x32: {  	s25 =	simm.s32 $0x800;
	s24 =	simm.s32 $0x100;
	[sflag:s10] =	ssyncset.done $0x0  }
.LBB2_3:
0x33: {  	s26 =	sadd.s32 $0x80, s24  }
0x34: {  	[sflag:s10] =	ssyncadd.s32 $0xFFFFC000;
	s28 =	smov.u32 s25;
	s29 =	sadd.s32 $0x400, s25  }
0x35: {  	[tilespmem:s15], [sflag:$0x2] =	stream.indirect.gather [hbm4b:s4+s13], $0x80, s26, s13, $0xb8;
	[tilespmem:$0x1DC00] =	vst v63  }
0x36: {  	p0 =	sne.s32 s25, $0x3800;
	_ =	swait.ge [sflag:s16], $0x4000  }
0x37: {  	[sflag:s16] =	ssyncset.done $0x0  }
0x38: {  	s25 =	sadd.s32 $0x1000, s24;
	[sflag:s16] =	ssyncadd.s32 $0xFFFFC000  }
0x39: {  	[spmem:s1] =	stream.indirect.scatter.add.f32 [tilespmem:s14], [sflag:$0x3], $0x80, s25, s13, $0xb8;
	[tilespmem:$0x1DC00] =	vst v63  }
0x3a: {  	_ =	swait.ge [sflag:s10], $0x4000  }
0x3b: {  	[sflag:s10] =	ssyncset.done $0x0  }
0x3c: {  	s25 =	sadd.s32 $0x100, s24;
	[sflag:s10] =	ssyncadd.s32 $0xFFFFC000  }
0x3d: {  	[tilespmem:s14], [sflag:$0x1] =	stream.indirect.gather [hbm4b:s4+s13], $0x80, s25, s13, $0xb8;
	[tilespmem:$0x1DC00] =	vst v63  }
0x3e: {  	_ =	swait.ge [sflag:s17], $0x4000  }
.Ltmp0:
0x3f: {  	[sflag:s17] =	ssyncset.done $0x0;
	(pc) =	sbr.rel @p0 .LBB2_3-.Ltmp0, $4  }
0x40: {  	s24 =	sadd.s32 $0x1080, s24;
	[sflag:s17] =	ssyncadd.s32 $0xFFFFC000  }
0x41: {  	[spmem:s1] =	stream.indirect.scatter.add.f32 [tilespmem:s15], [sflag:$0x3], $0x80, s24, s13, $0xb8;
	[tilespmem:$0x1DC00] =	vst v63  }
0x42: {  	_ =	swait.ge [sflag:s10], $0x4000  }
0x43: {  	s25 =	smov.u32 s29;
	s24 =	sshra.s32 s28, $0x2;
	[sflag:s10] =	ssyncset.done $0x0  }
0x44: {  	s25 =	sadd.s32 $0x80, s24;
	[sflag:s10] =	ssyncadd.s32 $0xFFFFC000  }
0x45: {  	[tilespmem:s15], [sflag:$0x2] =	stream.indirect.gather [hbm4b:s4+s13], $0x80, s25, s13, $0xb8;
	[tilespmem:$0x1DC00] =	vst v63  }
0x46: {  	_ =	swait.ge [sflag:s16], $0x4000  }
0x47: {  	[sflag:s16] =	ssyncset.done $0x0  }
0x48: {  	s29 =	sadd.s32 $0x1000, s24;
	[sflag:s16] =	ssyncadd.s32 $0xFFFFC000  }
0x49: {  	[spmem:s1] =	stream.indirect.scatter.add.f32 [tilespmem:s14], [sflag:$0x3], $0x80, s29, s13, $0xb8;
	[tilespmem:$0x1DC00] =	vst v63  }
0x4a: {  	_ =	swait.ge [sflag:s10], $0x4000  }
0x4b: {  	[sflag:s10] =	ssyncset.done $0x0  }
0x4c: {  	s30 =	sadd.s32 $0x100, s24;
	[sflag:s10] =	ssyncadd.s32 $0xFFFFC000  }
0x4d: {  	[tilespmem:s14], [sflag:$0x1] =	stream.indirect.gather [hbm4b:s4+s13], $0x80, s30, s13, $0xb8;
	[tilespmem:$0x1DC00] =	vst v63  }
0x4e: {  	_ =	swait.ge [sflag:s17], $0x4000  }
0x4f: {  	[sflag:s17] =	ssyncset.done $0x0  }
0x50: {  	s31 =	sadd.s32 $0x1080, s24;
	[sflag:s17] =	ssyncadd.s32 $0xFFFFC000  }
0x51: {  	[spmem:s1] =	stream.indirect.scatter.add.f32 [tilespmem:s15], [sflag:$0x3], $0x80, s31, s13, $0xb8;
	[tilespmem:$0x1DC00] =	vst v63  }
0x52: {  	_ =	swait.ge [sflag:s10], $0x4000  }
0x53: {  	[sflag:s10] =	ssyncset.done $0x0  }
0x54: {  	[sflag:s10] =	ssyncadd.s32 $0xFFFFC000  }
0x55: {  	[tilespmem:s15], [sflag:$0x2] =	stream.indirect.gather [hbm4b:s4+s13], $0x80, s18, s13, $0xb8;
	[tilespmem:$0x1DC00] =	vst v63  }
0x56: {  	_ =	swait.ge [sflag:s16], $0x4000  }
0x57: {  	[sflag:s16] =	ssyncset.done $0x0  }
0x58: {  	[sflag:s16] =	ssyncadd.s32 $0xFFFFC000  }
0x59: {  	[spmem:s1] =	stream.indirect.scatter.add.f32 [tilespmem:s14], [sflag:$0x3], $0x80, s19, s13, $0xb8;
	[tilespmem:$0x1DC00] =	vst v63  }
0x5a: {  	_ =	swait.ge [sflag:s10], $0x4000  }
0x5b: {  	[sflag:s10] =	ssyncset.done $0x0  }
0x5c: {  	[sflag:s10] =	ssyncadd.s32 $0xFFFFC000  }
0x5d: {  	[tilespmem:s14], [sflag:$0x1] =	stream.indirect.gather [hbm4b:s4+s13], $0x80, s18, s13, $0xb8;
	[tilespmem:$0x1DC00] =	vst v63  }
0x5e: {  	_ =	swait.ge [sflag:s17], $0x4000  }
0x5f: {  	[sflag:s17] =	ssyncset.done $0x0  }
0x60: {  	s23 =	sadd.s32 $0x1, s23;
	[sflag:s17] =	ssyncadd.s32 $0xFFFFC000  }
0x61: {  	[spmem:s1] =	stream.indirect.scatter.add.f32 [tilespmem:s15], [sflag:$0x3], $0x80, s20, s13, $0xb8;
	[tilespmem:$0x1DC00] =	vst v63  }
0x62: {  	p0 =	sne.s32 s23, $0x5;
	_ =	swait.ge [sflag:s10], $0x4000  }
.Ltmp1:
0x63: {  	[sflag:s10] =	ssyncset.done $0x0;
	(pc) =	sbr.rel @p0 .LBB2_2-.Ltmp1, $4  }
0x64: {  	[sflag:s10] =	ssyncadd.s32 $0xFFFFC000  }
0x65: {  	_ =	swait.ge [sflag:s16], $0x4000  }
0x66: {  	[sflag:s16] =	ssyncset.done $0x0  }
0x67: {  	[sflag:s16] =	ssyncadd.s32 $0xFFFFC000  }
0x68: {  	s3 =	sadd.s32 $0x1, s3  }
0x69: {  	p0 =	sne.s32 s3, s8  }
.Ltmp2:
0x6a: {  	[bflag:$0x0] =	sbarrier.arrive $0xFFFF;
	(pc) =	sbr.rel @p0 .LBB2_1-.Ltmp2, $4  }
0x6b: {  	[hbm:s21], [sflag:s6] =	dma.local [spmem:s22], $0x2700  }
0x6c: {  	_ =	swait.ge [sflag:s10], $0x2700  }
0x6d: {  	[sflag:s10] =	ssyncset.done $0x0  }
0x6e: {  	[sflag:s10] =	ssyncadd.s32 $0xFFFFD900  }
0x6f: {  	_ =	sfence.sel $0x180000  }
0x70: {  	[bflag:$0x0] =	sbarrier.arrive $0xFFFF  }
0x71: {  	p0 =	sne.s32 s2, $0x0;
	_ =	strace $0x90000047  }
0x72: {  	s0 =	sadd.s32 @!p0 $0x100000, s0;
	[bflag:$0x2] =	sbarrier.arrive $0xFFFF  }
0x73: {  	[sflag:s0] =	ssyncadd.tile.s32 @!p0 $0x1;
	_ =	shalt  }
.Lfunc_end2:
_tile_overlayer_lowered:
.L_overlay_start_2:
0x74: {  	(tag) =	ssettag $0x2  }
0x75: {  	s0 =	rddreg [dreg:$0x0];
	s2 =	stileid.u32  }
0x76: {  	s1 =	rddreg [dreg:$0x1];
	p0 =	sne.s32 s2, $0x0  }
0x77: {  	s3 =	rddreg [dreg:$0x2];
	[bflag:$0x3] =	sbarrier.arrive $0xFFFF;
	s2 =	simm.s32 @!p0 $0x1C03  }
0x78: {  	[timem:s3], [sflag:s2] =	dma.local @!p0 [hbm:s0], s1  }
0x79: {  	s0 =	simm.s32 @!p0 $0x3  }
0x7a: {  	_ =	swait.ge @!p0 [sflag:s0], s1  }
0x7b: {  	s1 =	ssub.s32 @!p0 $0x0, s1;
	[sflag:s0] =	ssyncset.done @!p0 $0x0  }
0x7c: {  	[sflag:s0] =	ssyncadd.s32 @!p0 s1  }
0x7d: {  	[bflag:$0x3] =	sbarrier.arrive $0xFFFF  }
0x7e: {  	_ =	shalt  }

</sc_bundles>
